<compile_context>
chip_gen: v7x
topology: tpu7x:2x2x1
jax: 0.10.2.dev20260603
libtpu: 0.0.44.dev20260713+nightly
codegen_flags: <defaults>
</compile_context>

<pallas_src>
import functools

import jax
import jax.numpy as jnp
from jax import lax
from jax.experimental import pallas as pl
from jax.experimental.pallas import tpu as pltpu
from jax.experimental.pallas import tpu_sc as plsc

D = 64
L = 16
SCALE = 8.0
NC, NS = 2, 16
NW = NC * NS
CHUNK = 128
NBUF = 8
LOOKAHEAD = 4

VBLK = 2048
NPAIR = 245
PACKED_ROWS = NPAIR * VBLK


def _table_transpose_scale(table_t):

    def body(i_ref, o_ref):
        o_ref[:, 0:D] = i_ref[:, 0:VBLK].T * SCALE
        o_ref[:, D : 2 * D] = i_ref[:, VBLK : 2 * VBLK].T * SCALE

    return pl.pallas_call(
        body,
        grid=(NPAIR,),
        in_specs=[pl.BlockSpec((D, 2 * VBLK), lambda j: (0, j))],
        out_specs=pl.BlockSpec((VBLK, 2 * D), lambda j: (j, 0)),
        out_shape=jax.ShapeDtypeStruct((PACKED_ROWS, 2 * D), jnp.float32),
    )(table_t)


def _emb_call(idx, table_rm, tot, n_chunks):
    mesh = plsc.VectorSubcoreMesh(core_axis_name="c", subcore_axis_name="s")

    @functools.partial(
        pl.kernel,
        mesh=mesh,
        out_type=jax.ShapeDtypeStruct((tot, D), jnp.float32),
        scratch_types=[
            pltpu.VMEM((n_chunks, CHUNK), jnp.int32),
            pltpu.VMEM((NBUF, CHUNK, D), jnp.float32),
        ]
        + [pltpu.SemaphoreType.DMA] * (2 * NBUF),
        compiler_params=pltpu.CompilerParams(use_tc_tiling_on_sc=False),
    )
    def emb(idx_hbm, table_hbm, out_hbm, idx_v, gbuf, *sems):
        gsems, ssems = sems[:NBUF], sems[NBUF:]
        wid = lax.axis_index("s") * NC + lax.axis_index("c")
        base = wid * n_chunks
        pltpu.sync_copy(idx_hbm.at[pl.ds(base, n_chunks)], idx_v)

        @plsc.parallel_loop(0, n_chunks, step=1, unroll=2)
        def _(r):
            for j in range(CHUNK // L):
                sl = pl.ds(j * L, L)
                v = idx_v[r, sl]
                k = jax.lax.shift_right_logical(v, 12)
                t = jax.lax.bitwise_and(v, VBLK - 1)
                h = jax.lax.bitwise_and(jax.lax.shift_right_logical(v, 11), 1)
                idx_v[r, sl] = (
                    jax.lax.shift_left(k, 12) + jax.lax.shift_left(t, 1) + h
                )

        def gather(g, b):
            pltpu.async_copy(table_hbm.at[idx_v.at[g]], gbuf.at[b], gsems[b])

        def store(g, b, wait):
            cp = pltpu.make_async_copy(
                gbuf.at[b], out_hbm.at[pl.ds((base + g) * CHUNK, CHUNK)], ssems[b]
            )
            cp.wait() if wait else cp.start()

        for g in range(LOOKAHEAD):
            gather(g, g)

        n_outer = n_chunks // NBUF

        def outer(o, carry):
            for b in range(NBUF):
                g = o * NBUF + b
                pltpu.make_async_copy(
                    table_hbm.at[idx_v.at[g]], gbuf.at[b], gsems[b]
                ).wait()
                store(g, b, wait=False)
                h = g + LOOKAHEAD
                bh = (b + LOOKAHEAD) % NBUF

                def _wait_prev_store():
                    store(g - LOOKAHEAD, bh, wait=True)

                if b >= LOOKAHEAD:
                    _wait_prev_store()
                else:
                    pl.when(o > 0)(_wait_prev_store)

                @pl.when(h < n_chunks)
                def _():
                    gather(h, bh)

            return carry

        lax.fori_loop(0, n_outer, outer, 0)

        for k in range(LOOKAHEAD):
            g = n_chunks - LOOKAHEAD + k
            store(g, g % NBUF, wait=True)

    return emb(idx, table_rm)


def kernel(x, table):
    batch, seq = x.shape
    tot = batch * seq
    n_chunks = tot // (NW * CHUNK)
    idx = x.reshape(NW * n_chunks, CHUNK)
    table_rm = _table_transpose_scale(table.T).reshape(2 * PACKED_ROWS, D)
    out = _emb_call(idx, table_rm, tot, n_chunks)
    return out.reshape(batch, seq, D)

# --- scband reference (transcript-rebuilt; emitter-appended) ---
"""Pipeline reference for scband-input-embedding-50165218017736 (READ-ONLY COPY).

The authoritative reference and input builder live on the scoring server;
editing this copy changes nothing except your own understanding.
"""

import jax, jax.numpy as jnp
import numpy as np

D_MODEL = 64
VOCAB_SIZE = 1000000
BATCH = 4096
SEQ = 200


def setup_inputs(seed: int = 0) -> dict:
    key = jax.random.key(seed)
    k1, k2 = jax.random.split(key)
    x = jax.random.randint(k1, (BATCH, SEQ), 0, VOCAB_SIZE, dtype=jnp.int32)
    # nn.Embedding default init: N(0, 1)
    table = jax.random.normal(k2, (VOCAB_SIZE, D_MODEL), dtype=jnp.float32)
    return {"x": x, "table": table}


def reference(x, table):
    scale = jnp.sqrt(jnp.asarray(D_MODEL, dtype=jnp.float32))
    emb = jnp.take(table, x, axis=0)
    return emb * scale

if __name__ == "__main__":
    import jax
    _d = setup_inputs()
    print(jax.jit(kernel)(*tuple(_d.values())))

</pallas_src>

<mosaic_0001>
#map = affine_map<(d0, d1) -> (0, 0)>
module attributes {stable_mosaic.version = 14 : i64} {
  func.func @emb(%arg0: i32, %arg1: i32, %arg2: memref<6400x128xi32, #tpu.memory_space<hbm>>, %arg3: memref<1003520x64xf32, #tpu.memory_space<hbm>>, %arg4: memref<819200x64xf32, #tpu.memory_space<hbm>>, %arg5: memref<200x128xi32, #tpu.memory_space<vmem>>, %arg6: memref<8x128x64xf32, #tpu.memory_space<vmem>>, %arg7: memref<!tpu.dma_semaphore, #tpu.memory_space<semaphore_mem>>, %arg8: memref<!tpu.dma_semaphore, #tpu.memory_space<semaphore_mem>>, %arg9: memref<!tpu.dma_semaphore, #tpu.memory_space<semaphore_mem>>, %arg10: memref<!tpu.dma_semaphore, #tpu.memory_space<semaphore_mem>>, %arg11: memref<!tpu.dma_semaphore, #tpu.memory_space<semaphore_mem>>, %arg12: memref<!tpu.dma_semaphore, #tpu.memory_space<semaphore_mem>>, %arg13: memref<!tpu.dma_semaphore, #tpu.memory_space<semaphore_mem>>, %arg14: memref<!tpu.dma_semaphore, #tpu.memory_space<semaphore_mem>>, %arg15: memref<!tpu.dma_semaphore, #tpu.memory_space<semaphore_mem>>, %arg16: memref<!tpu.dma_semaphore, #tpu.memory_space<semaphore_mem>>, %arg17: memref<!tpu.dma_semaphore, #tpu.memory_space<semaphore_mem>>, %arg18: memref<!tpu.dma_semaphore, #tpu.memory_space<semaphore_mem>>, %arg19: memref<!tpu.dma_semaphore, #tpu.memory_space<semaphore_mem>>, %arg20: memref<!tpu.dma_semaphore, #tpu.memory_space<semaphore_mem>>, %arg21: memref<!tpu.dma_semaphore, #tpu.memory_space<semaphore_mem>>, %arg22: memref<!tpu.dma_semaphore, #tpu.memory_space<semaphore_mem>>) attributes {dimension_semantics = [#tpu.dimension_semantics<core_parallel>, #tpu.dimension_semantics<subcore_parallel>], iteration_bounds = array<i64: 2, 16>, scalar_prefetch = 0 : i64, scratch_operands = 18 : i64, tpu.core_type = #tpu.core_type<sc_vector_subcore>, window_params = [{transform_indices = #map}, {transform_indices = #map}, {transform_indices = #map}]} {
    %mul3A = arith.constant 2 : i32
    %mul3A_0 = arith.muli %arg1, %mul3A : i32
    %add3A = arith.addi %mul3A_0, %arg0 : i32
    %mul3A_1 = arith.constant 200 : i32
    %mul3A_2 = arith.muli %add3A, %mul3A_1 : i32
    "tpu.region"() ({
      %run_scoped3A = tpu.sem_alloc : memref<!tpu.dma_semaphore, #tpu.memory_space<semaphore_mem>>
      %dma_start3A_124 = arith.constant 0 : i32
      %dma_start3A_125 = tpu.memref_slice %arg2[%mul3A_2, %dma_start3A_124] : memref<6400x128xi32, #tpu.memory_space<hbm>> -> memref<200x128xi32, #tpu.memory_space<hbm>>
      %dma_start3A_126 = arith.constant 0 : i32
      %dma_start3A_127 = tpu.memref_slice %arg2[%mul3A_2, %dma_start3A_126] : memref<6400x128xi32, #tpu.memory_space<hbm>> -> memref<200x128xi32, #tpu.memory_space<hbm>>
      tpu.enqueue_dma source(%dma_start3A_127 : memref<200x128xi32, #tpu.memory_space<hbm>>) target(%arg5 : memref<200x128xi32, #tpu.memory_space<vmem>>) target_semaphore(%run_scoped3A : memref<!tpu.dma_semaphore, #tpu.memory_space<semaphore_mem>>)
      %dma_wait3A_128 = arith.constant 0 : i32
      %dma_wait3A_129 = tpu.memref_slice %arg2[%mul3A_2, %dma_wait3A_128] : memref<6400x128xi32, #tpu.memory_space<hbm>> -> memref<200x128xi32, #tpu.memory_space<hbm>>
      %dma_wait3A_130 = arith.constant 0 : i32
      %dma_wait3A_131 = tpu.memref_slice %arg2[%mul3A_2, %dma_wait3A_130] : memref<6400x128xi32, #tpu.memory_space<hbm>> -> memref<200x128xi32, #tpu.memory_space<hbm>>
      tpu.wait_dma2 semaphore(%run_scoped3A : memref<!tpu.dma_semaphore, #tpu.memory_space<semaphore_mem>>) src(%dma_wait3A_131 : memref<200x128xi32, #tpu.memory_space<hbm>>) dst(%arg5 : memref<200x128xi32, #tpu.memory_space<vmem>>)
      tpu.yield
    }) : () -> ()
    %parallel_loop3A = arith.constant 0 : i32
    %parallel_loop3A_3 = arith.constant 200 : i32
    %parallel_loop3A_4 = arith.constant 1 : i32
    scf.for %parallel_loop3A_124 = %parallel_loop3A to %parallel_loop3A_3 step %parallel_loop3A_4  : i32 {
      %parallel_loop3A_125 = arith.index_cast %parallel_loop3A_124 : i32 to index
      %parallel_loop3A_126 = arith.constant 0 : index
      %parallel_loop3A_127 = tpu.vector_load %arg5[%parallel_loop3A_125, %parallel_loop3A_126] {strides = array<i32>} : memref<200x128xi32, #tpu.memory_space<vmem>>, vector<1x16xi32>,
      %parallel_loop3A_128 = vector.shape_cast %parallel_loop3A_127 : vector<1x16xi32> to vector<16xi32>
      %parallel_loop3A_129 = arith.constant 12 : i32
      %parallel_loop3A_130 = vector.broadcast %parallel_loop3A_129 : i32 to vector<16xi32>
      %parallel_loop3A_131 = arith.shrui %parallel_loop3A_128, %parallel_loop3A_130 : vector<16xi32>
      %parallel_loop3A_132 = arith.constant 2047 : i32
      %parallel_loop3A_133 = vector.broadcast %parallel_loop3A_132 : i32 to vector<16xi32>
      %parallel_loop3A_134 = arith.andi %parallel_loop3A_128, %parallel_loop3A_133 : vector<16xi32>
      %parallel_loop3A_135 = arith.constant 11 : i32
      %parallel_loop3A_136 = vector.broadcast %parallel_loop3A_135 : i32 to vector<16xi32>
      %parallel_loop3A_137 = arith.shrui %parallel_loop3A_128, %parallel_loop3A_136 : vector<16xi32>
      %parallel_loop3A_138 = arith.constant 1 : i32
      %parallel_loop3A_139 = vector.broadcast %parallel_loop3A_138 : i32 to vector<16xi32>
      %parallel_loop3A_140 = arith.andi %parallel_loop3A_137, %parallel_loop3A_139 : vector<16xi32>
      %parallel_loop3A_141 = arith.constant 12 : i32
      %parallel_loop3A_142 = vector.broadcast %parallel_loop3A_141 : i32 to vector<16xi32>
      %parallel_loop3A_143 = arith.shli %parallel_loop3A_131, %parallel_loop3A_142 : vector<16xi32>
      %parallel_loop3A_144 = arith.constant 1 : i32
      %parallel_loop3A_145 = vector.broadcast %parallel_loop3A_144 : i32 to vector<16xi32>
      %parallel_loop3A_146 = arith.shli %parallel_loop3A_134, %parallel_loop3A_145 : vector<16xi32>
      %parallel_loop3A_147 = arith.addi %parallel_loop3A_143, %parallel_loop3A_146 : vector<16xi32>
      %parallel_loop3A_148 = arith.addi %parallel_loop3A_147, %parallel_loop3A_140 : vector<16xi32>
      %parallel_loop3A_149 = arith.index_cast %parallel_loop3A_124 : i32 to index
      %parallel_loop3A_150 = arith.constant 0 : index
      %parallel_loop3A_151 = tpu.vector_load %arg5[%parallel_loop3A_149, %parallel_loop3A_150] {strides = array<i32>} : memref<200x128xi32, #tpu.memory_space<vmem>>, vector<1x16xi32>,
      %parallel_loop3A_152 = vector.shape_cast %parallel_loop3A_151 : vector<1x16xi32> to vector<16xi32>
      %parallel_loop3A_153 = vector.shape_cast %parallel_loop3A_148 : vector<16xi32> to vector<1x16xi32>
      tpu.vector_store %arg5[%parallel_loop3A_149, %parallel_loop3A_150], %parallel_loop3A_153 {strides = array<i32>} : memref<200x128xi32, #tpu.memory_space<vmem>>, vector<1x16xi32>,
      %parallel_loop3A_154 = arith.index_cast %parallel_loop3A_124 : i32 to index
      %parallel_loop3A_155 = arith.constant 16 : index
      %parallel_loop3A_156 = tpu.vector_load %arg5[%parallel_loop3A_154, %parallel_loop3A_155] {strides = array<i32>} : memref<200x128xi32, #tpu.memory_space<vmem>>, vector<1x16xi32>,
      %parallel_loop3A_157 = vector.shape_cast %parallel_loop3A_156 : vector<1x16xi32> to vector<16xi32>
      %parallel_loop3A_158 = arith.constant 12 : i32
      %parallel_loop3A_159 = vector.broadcast %parallel_loop3A_158 : i32 to vector<16xi32>
      %parallel_loop3A_160 = arith.shrui %parallel_loop3A_157, %parallel_loop3A_159 : vector<16xi32>
      %parallel_loop3A_161 = arith.constant 2047 : i32
      %parallel_loop3A_162 = vector.broadcast %parallel_loop3A_161 : i32 to vector<16xi32>
      %parallel_loop3A_163 = arith.andi %parallel_loop3A_157, %parallel_loop3A_162 : vector<16xi32>
      %parallel_loop3A_164 = arith.constant 11 : i32
      %parallel_loop3A_165 = vector.broadcast %parallel_loop3A_164 : i32 to vector<16xi32>
      %parallel_loop3A_166 = arith.shrui %parallel_loop3A_157, %parallel_loop3A_165 : vector<16xi32>
      %parallel_loop3A_167 = arith.constant 1 : i32
      %parallel_loop3A_168 = vector.broadcast %parallel_loop3A_167 : i32 to vector<16xi32>
      %parallel_loop3A_169 = arith.andi %parallel_loop3A_166, %parallel_loop3A_168 : vector<16xi32>
      %parallel_loop3A_170 = arith.constant 12 : i32
      %parallel_loop3A_171 = vector.broadcast %parallel_loop3A_170 : i32 to vector<16xi32>
      %parallel_loop3A_172 = arith.shli %parallel_loop3A_160, %parallel_loop3A_171 : vector<16xi32>
      %parallel_loop3A_173 = arith.constant 1 : i32
      %parallel_loop3A_174 = vector.broadcast %parallel_loop3A_173 : i32 to vector<16xi32>
      %parallel_loop3A_175 = arith.shli %parallel_loop3A_163, %parallel_loop3A_174 : vector<16xi32>
      %parallel_loop3A_176 = arith.addi %parallel_loop3A_172, %parallel_loop3A_175 : vector<16xi32>
      %parallel_loop3A_177 = arith.addi %parallel_loop3A_176, %parallel_loop3A_169 : vector<16xi32>
      %parallel_loop3A_178 = arith.index_cast %parallel_loop3A_124 : i32 to index
      %parallel_loop3A_179 = arith.constant 16 : index
      %parallel_loop3A_180 = tpu.vector_load %arg5[%parallel_loop3A_178, %parallel_loop3A_179] {strides = array<i32>} : memref<200x128xi32, #tpu.memory_space<vmem>>, vector<1x16xi32>,
      %parallel_loop3A_181 = vector.shape_cast %parallel_loop3A_180 : vector<1x16xi32> to vector<16xi32>
      %parallel_loop3A_182 = vector.shape_cast %parallel_loop3A_177 : vector<16xi32> to vector<1x16xi32>
      tpu.vector_store %arg5[%parallel_loop3A_178, %parallel_loop3A_179], %parallel_loop3A_182 {strides = array<i32>} : memref<200x128xi32, #tpu.memory_space<vmem>>, vector<1x16xi32>,
      %parallel_loop3A_183 = arith.index_cast %parallel_loop3A_124 : i32 to index
      %parallel_loop3A_184 = arith.constant 32 : index
      %parallel_loop3A_185 = tpu.vector_load %arg5[%parallel_loop3A_183, %parallel_loop3A_184] {strides = array<i32>} : memref<200x128xi32, #tpu.memory_space<vmem>>, vector<1x16xi32>,
      %parallel_loop3A_186 = vector.shape_cast %parallel_loop3A_185 : vector<1x16xi32> to vector<16xi32>
      %parallel_loop3A_187 = arith.constant 12 : i32
      %parallel_loop3A_188 = vector.broadcast %parallel_loop3A_187 : i32 to vector<16xi32>
      %parallel_loop3A_189 = arith.shrui %parallel_loop3A_186, %parallel_loop3A_188 : vector<16xi32>
      %parallel_loop3A_190 = arith.constant 2047 : i32
      %parallel_loop3A_191 = vector.broadcast %parallel_loop3A_190 : i32 to vector<16xi32>
      %parallel_loop3A_192 = arith.andi %parallel_loop3A_186, %parallel_loop3A_191 : vector<16xi32>
      %parallel_loop3A_193 = arith.constant 11 : i32
      %parallel_loop3A_194 = vector.broadcast %parallel_loop3A_193 : i32 to vector<16xi32>
      %parallel_loop3A_195 = arith.shrui %parallel_loop3A_186, %parallel_loop3A_194 : vector<16xi32>
      %parallel_loop3A_196 = arith.constant 1 : i32
      %parallel_loop3A_197 = vector.broadcast %parallel_loop3A_196 : i32 to vector<16xi32>
      %parallel_loop3A_198 = arith.andi %parallel_loop3A_195, %parallel_loop3A_197 : vector<16xi32>
      %parallel_loop3A_199 = arith.constant 12 : i32
      %parallel_loop3A_200 = vector.broadcast %parallel_loop3A_199 : i32 to vector<16xi32>
      %parallel_loop3A_201 = arith.shli %parallel_loop3A_189, %parallel_loop3A_200 : vector<16xi32>
      %parallel_loop3A_202 = arith.constant 1 : i32
      %parallel_loop3A_203 = vector.broadcast %parallel_loop3A_202 : i32 to vector<16xi32>
      %parallel_loop3A_204 = arith.shli %parallel_loop3A_192, %parallel_loop3A_203 : vector<16xi32>
      %parallel_loop3A_205 = arith.addi %parallel_loop3A_201, %parallel_loop3A_204 : vector<16xi32>
      %parallel_loop3A_206 = arith.addi %parallel_loop3A_205, %parallel_loop3A_198 : vector<16xi32>
      %parallel_loop3A_207 = arith.index_cast %parallel_loop3A_124 : i32 to index
      %parallel_loop3A_208 = arith.constant 32 : index
      %parallel_loop3A_209 = tpu.vector_load %arg5[%parallel_loop3A_207, %parallel_loop3A_208] {strides = array<i32>} : memref<200x128xi32, #tpu.memory_space<vmem>>, vector<1x16xi32>,
      %parallel_loop3A_210 = vector.shape_cast %parallel_loop3A_209 : vector<1x16xi32> to vector<16xi32>
      %parallel_loop3A_211 = vector.shape_cast %parallel_loop3A_206 : vector<16xi32> to vector<1x16xi32>
      tpu.vector_store %arg5[%parallel_loop3A_207, %parallel_loop3A_208], %parallel_loop3A_211 {strides = array<i32>} : memref<200x128xi32, #tpu.memory_space<vmem>>, vector<1x16xi32>,
      %parallel_loop3A_212 = arith.index_cast %parallel_loop3A_124 : i32 to index
      %parallel_loop3A_213 = arith.constant 48 : index
      %parallel_loop3A_214 = tpu.vector_load %arg5[%parallel_loop3A_212, %parallel_loop3A_213] {strides = array<i32>} : memref<200x128xi32, #tpu.memory_space<vmem>>, vector<1x16xi32>,
      %parallel_loop3A_215 = vector.shape_cast %parallel_loop3A_214 : vector<1x16xi32> to vector<16xi32>
      %parallel_loop3A_216 = arith.constant 12 : i32
      %parallel_loop3A_217 = vector.broadcast %parallel_loop3A_216 : i32 to vector<16xi32>
      %parallel_loop3A_218 = arith.shrui %parallel_loop3A_215, %parallel_loop3A_217 : vector<16xi32>
      %parallel_loop3A_219 = arith.constant 2047 : i32
      %parallel_loop3A_220 = vector.broadcast %parallel_loop3A_219 : i32 to vector<16xi32>
      %parallel_loop3A_221 = arith.andi %parallel_loop3A_215, %parallel_loop3A_220 : vector<16xi32>
      %parallel_loop3A_222 = arith.constant 11 : i32
      %parallel_loop3A_223 = vector.broadcast %parallel_loop3A_222 : i32 to vector<16xi32>
      %parallel_loop3A_224 = arith.shrui %parallel_loop3A_215, %parallel_loop3A_223 : vector<16xi32>
      %parallel_loop3A_225 = arith.constant 1 : i32
      %parallel_loop3A_226 = vector.broadcast %parallel_loop3A_225 : i32 to vector<16xi32>
      %parallel_loop3A_227 = arith.andi %parallel_loop3A_224, %parallel_loop3A_226 : vector<16xi32>
      %parallel_loop3A_228 = arith.constant 12 : i32
      %parallel_loop3A_229 = vector.broadcast %parallel_loop3A_228 : i32 to vector<16xi32>
      %parallel_loop3A_230 = arith.shli %parallel_loop3A_218, %parallel_loop3A_229 : vector<16xi32>
      %parallel_loop3A_231 = arith.constant 1 : i32
      %parallel_loop3A_232 = vector.broadcast %parallel_loop3A_231 : i32 to vector<16xi32>
      %parallel_loop3A_233 = arith.shli %parallel_loop3A_221, %parallel_loop3A_232 : vector<16xi32>
      %parallel_loop3A_234 = arith.addi %parallel_loop3A_230, %parallel_loop3A_233 : vector<16xi32>
      %parallel_loop3A_235 = arith.addi %parallel_loop3A_234, %parallel_loop3A_227 : vector<16xi32>
      %parallel_loop3A_236 = arith.index_cast %parallel_loop3A_124 : i32 to index
      %parallel_loop3A_237 = arith.constant 48 : index
      %parallel_loop3A_238 = tpu.vector_load %arg5[%parallel_loop3A_236, %parallel_loop3A_237] {strides = array<i32>} : memref<200x128xi32, #tpu.memory_space<vmem>>, vector<1x16xi32>,
      %parallel_loop3A_239 = vector.shape_cast %parallel_loop3A_238 : vector<1x16xi32> to vector<16xi32>
      %parallel_loop3A_240 = vector.shape_cast %parallel_loop3A_235 : vector<16xi32> to vector<1x16xi32>
      tpu.vector_store %arg5[%parallel_loop3A_236, %parallel_loop3A_237], %parallel_loop3A_240 {strides = array<i32>} : memref<200x128xi32, #tpu.memory_space<vmem>>, vector<1x16xi32>,
      %parallel_loop3A_241 = arith.index_cast %parallel_loop3A_124 : i32 to index
      %parallel_loop3A_242 = arith.constant 64 : index
      %parallel_loop3A_243 = tpu.vector_load %arg5[%parallel_loop3A_241, %parallel_loop3A_242] {strides = array<i32>} : memref<200x128xi32, #tpu.memory_space<vmem>>, vector<1x16xi32>,
      %parallel_loop3A_244 = vector.shape_cast %parallel_loop3A_243 : vector<1x16xi32> to vector<16xi32>
      %parallel_loop3A_245 = arith.constant 12 : i32
      %parallel_loop3A_246 = vector.broadcast %parallel_loop3A_245 : i32 to vector<16xi32>
      %parallel_loop3A_247 = arith.shrui %parallel_loop3A_244, %parallel_loop3A_246 : vector<16xi32>
      %parallel_loop3A_248 = arith.constant 2047 : i32
      %parallel_loop3A_249 = vector.broadcast %parallel_loop3A_248 : i32 to vector<16xi32>
      %parallel_loop3A_250 = arith.andi %parallel_loop3A_244, %parallel_loop3A_249 : vector<16xi32>
      %parallel_loop3A_251 = arith.constant 11 : i32
      %parallel_loop3A_252 = vector.broadcast %parallel_loop3A_251 : i32 to vector<16xi32>
      %parallel_loop3A_253 = arith.shrui %parallel_loop3A_244, %parallel_loop3A_252 : vector<16xi32>
      %parallel_loop3A_254 = arith.constant 1 : i32
      %parallel_loop3A_255 = vector.broadcast %parallel_loop3A_254 : i32 to vector<16xi32>
      %parallel_loop3A_256 = arith.andi %parallel_loop3A_253, %parallel_loop3A_255 : vector<16xi32>
      %parallel_loop3A_257 = arith.constant 12 : i32
      %parallel_loop3A_258 = vector.broadcast %parallel_loop3A_257 : i32 to vector<16xi32>
      %parallel_loop3A_259 = arith.shli %parallel_loop3A_247, %parallel_loop3A_258 : vector<16xi32>
      %parallel_loop3A_260 = arith.constant 1 : i32
      %parallel_loop3A_261 = vector.broadcast %parallel_loop3A_260 : i32 to vector<16xi32>
      %parallel_loop3A_262 = arith.shli %parallel_loop3A_250, %parallel_loop3A_261 : vector<16xi32>
      %parallel_loop3A_263 = arith.addi %parallel_loop3A_259, %parallel_loop3A_262 : vector<16xi32>
      %parallel_loop3A_264 = arith.addi %parallel_loop3A_263, %parallel_loop3A_256 : vector<16xi32>
      %parallel_loop3A_265 = arith.index_cast %parallel_loop3A_124 : i32 to index
      %parallel_loop3A_266 = arith.constant 64 : index
      %parallel_loop3A_267 = tpu.vector_load %arg5[%parallel_loop3A_265, %parallel_loop3A_266] {strides = array<i32>} : memref<200x128xi32, #tpu.memory_space<vmem>>, vector<1x16xi32>,
      %parallel_loop3A_268 = vector.shape_cast %parallel_loop3A_267 : vector<1x16xi32> to vector<16xi32>
      %parallel_loop3A_269 = vector.shape_cast %parallel_loop3A_264 : vector<16xi32> to vector<1x16xi32>
      tpu.vector_store %arg5[%parallel_loop3A_265, %parallel_loop3A_266], %parallel_loop3A_269 {strides = array<i32>} : memref<200x128xi32, #tpu.memory_space<vmem>>, vector<1x16xi32>,
      %parallel_loop3A_270 = arith.index_cast %parallel_loop3A_124 : i32 to index
      %parallel_loop3A_271 = arith.constant 80 : index
      %parallel_loop3A_272 = tpu.vector_load %arg5[%parallel_loop3A_270, %parallel_loop3A_271] {strides = array<i32>} : memref<200x128xi32, #tpu.memory_space<vmem>>, vector<1x16xi32>,
      %parallel_loop3A_273 = vector.shape_cast %parallel_loop3A_272 : vector<1x16xi32> to vector<16xi32>
      %parallel_loop3A_274 = arith.constant 12 : i32
      %parallel_loop3A_275 = vector.broadcast %parallel_loop3A_274 : i32 to vector<16xi32>
      %parallel_loop3A_276 = arith.shrui %parallel_loop3A_273, %parallel_loop3A_275 : vector<16xi32>
      %parallel_loop3A_277 = arith.constant 2047 : i32
      %parallel_loop3A_278 = vector.broadcast %parallel_loop3A_277 : i32 to vector<16xi32>
      %parallel_loop3A_279 = arith.andi %parallel_loop3A_273, %parallel_loop3A_278 : vector<16xi32>
      %parallel_loop3A_280 = arith.constant 11 : i32
      %parallel_loop3A_281 = vector.broadcast %parallel_loop3A_280 : i32 to vector<16xi32>
      %parallel_loop3A_282 = arith.shrui %parallel_loop3A_273, %parallel_loop3A_281 : vector<16xi32>
      %parallel_loop3A_283 = arith.constant 1 : i32
      %parallel_loop3A_284 = vector.broadcast %parallel_loop3A_283 : i32 to vector<16xi32>
      %parallel_loop3A_285 = arith.andi %parallel_loop3A_282, %parallel_loop3A_284 : vector<16xi32>
      %parallel_loop3A_286 = arith.constant 12 : i32
      %parallel_loop3A_287 = vector.broadcast %parallel_loop3A_286 : i32 to vector<16xi32>
      %parallel_loop3A_288 = arith.shli %parallel_loop3A_276, %parallel_loop3A_287 : vector<16xi32>
      %parallel_loop3A_289 = arith.constant 1 : i32
      %parallel_loop3A_290 = vector.broadcast %parallel_loop3A_289 : i32 to vector<16xi32>
      %parallel_loop3A_291 = arith.shli %parallel_loop3A_279, %parallel_loop3A_290 : vector<16xi32>
      %parallel_loop3A_292 = arith.addi %parallel_loop3A_288, %parallel_loop3A_291 : vector<16xi32>
      %parallel_loop3A_293 = arith.addi %parallel_loop3A_292, %parallel_loop3A_285 : vector<16xi32>
      %parallel_loop3A_294 = arith.index_cast %parallel_loop3A_124 : i32 to index
      %parallel_loop3A_295 = arith.constant 80 : index
      %parallel_loop3A_296 = tpu.vector_load %arg5[%parallel_loop3A_294, %parallel_loop3A_295] {strides = array<i32>} : memref<200x128xi32, #tpu.memory_space<vmem>>, vector<1x16xi32>,
      %parallel_loop3A_297 = vector.shape_cast %parallel_loop3A_296 : vector<1x16xi32> to vector<16xi32>
      %parallel_loop3A_298 = vector.shape_cast %parallel_loop3A_293 : vector<16xi32> to vector<1x16xi32>
      tpu.vector_store %arg5[%parallel_loop3A_294, %parallel_loop3A_295], %parallel_loop3A_298 {strides = array<i32>} : memref<200x128xi32, #tpu.memory_space<vmem>>, vector<1x16xi32>,
      %parallel_loop3A_299 = arith.index_cast %parallel_loop3A_124 : i32 to index
      %parallel_loop3A_300 = arith.constant 96 : index
      %parallel_loop3A_301 = tpu.vector_load %arg5[%parallel_loop3A_299, %parallel_loop3A_300] {strides = array<i32>} : memref<200x128xi32, #tpu.memory_space<vmem>>, vector<1x16xi32>,
      %parallel_loop3A_302 = vector.shape_cast %parallel_loop3A_301 : vector<1x16xi32> to vector<16xi32>
      %parallel_loop3A_303 = arith.constant 12 : i32
      %parallel_loop3A_304 = vector.broadcast %parallel_loop3A_303 : i32 to vector<16xi32>
      %parallel_loop3A_305 = arith.shrui %parallel_loop3A_302, %parallel_loop3A_304 : vector<16xi32>
      %parallel_loop3A_306 = arith.constant 2047 : i32
      %parallel_loop3A_307 = vector.broadcast %parallel_loop3A_306 : i32 to vector<16xi32>
      %parallel_loop3A_308 = arith.andi %parallel_loop3A_302, %parallel_loop3A_307 : vector<16xi32>
      %parallel_loop3A_309 = arith.constant 11 : i32
      %parallel_loop3A_310 = vector.broadcast %parallel_loop3A_309 : i32 to vector<16xi32>
      %parallel_loop3A_311 = arith.shrui %parallel_loop3A_302, %parallel_loop3A_310 : vector<16xi32>
      %parallel_loop3A_312 = arith.constant 1 : i32
      %parallel_loop3A_313 = vector.broadcast %parallel_loop3A_312 : i32 to vector<16xi32>
      %parallel_loop3A_314 = arith.andi %parallel_loop3A_311, %parallel_loop3A_313 : vector<16xi32>
      %parallel_loop3A_315 = arith.constant 12 : i32
      %parallel_loop3A_316 = vector.broadcast %parallel_loop3A_315 : i32 to vector<16xi32>
      %parallel_loop3A_317 = arith.shli %parallel_loop3A_305, %parallel_loop3A_316 : vector<16xi32>
      %parallel_loop3A_318 = arith.constant 1 : i32
      %parallel_loop3A_319 = vector.broadcast %parallel_loop3A_318 : i32 to vector<16xi32>
      %parallel_loop3A_320 = arith.shli %parallel_loop3A_308, %parallel_loop3A_319 : vector<16xi32>
      %parallel_loop3A_321 = arith.addi %parallel_loop3A_317, %parallel_loop3A_320 : vector<16xi32>
      %parallel_loop3A_322 = arith.addi %parallel_loop3A_321, %parallel_loop3A_314 : vector<16xi32>
      %parallel_loop3A_323 = arith.index_cast %parallel_loop3A_124 : i32 to index
      %parallel_loop3A_324 = arith.constant 96 : index
      %parallel_loop3A_325 = tpu.vector_load %arg5[%parallel_loop3A_323, %parallel_loop3A_324] {strides = array<i32>} : memref<200x128xi32, #tpu.memory_space<vmem>>, vector<1x16xi32>,
      %parallel_loop3A_326 = vector.shape_cast %parallel_loop3A_325 : vector<1x16xi32> to vector<16xi32>
      %parallel_loop3A_327 = vector.shape_cast %parallel_loop3A_322 : vector<16xi32> to vector<1x16xi32>
      tpu.vector_store %arg5[%parallel_loop3A_323, %parallel_loop3A_324], %parallel_loop3A_327 {strides = array<i32>} : memref<200x128xi32, #tpu.memory_space<vmem>>, vector<1x16xi32>,
      %parallel_loop3A_328 = arith.index_cast %parallel_loop3A_124 : i32 to index
      %parallel_loop3A_329 = arith.constant 112 : index
      %parallel_loop3A_330 = tpu.vector_load %arg5[%parallel_loop3A_328, %parallel_loop3A_329] {strides = array<i32>} : memref<200x128xi32, #tpu.memory_space<vmem>>, vector<1x16xi32>,
      %parallel_loop3A_331 = vector.shape_cast %parallel_loop3A_330 : vector<1x16xi32> to vector<16xi32>
      %parallel_loop3A_332 = arith.constant 12 : i32
      %parallel_loop3A_333 = vector.broadcast %parallel_loop3A_332 : i32 to vector<16xi32>
      %parallel_loop3A_334 = arith.shrui %parallel_loop3A_331, %parallel_loop3A_333 : vector<16xi32>
      %parallel_loop3A_335 = arith.constant 2047 : i32
      %parallel_loop3A_336 = vector.broadcast %parallel_loop3A_335 : i32 to vector<16xi32>
      %parallel_loop3A_337 = arith.andi %parallel_loop3A_331, %parallel_loop3A_336 : vector<16xi32>
      %parallel_loop3A_338 = arith.constant 11 : i32
      %parallel_loop3A_339 = vector.broadcast %parallel_loop3A_338 : i32 to vector<16xi32>
      %parallel_loop3A_340 = arith.shrui %parallel_loop3A_331, %parallel_loop3A_339 : vector<16xi32>
      %parallel_loop3A_341 = arith.constant 1 : i32
      %parallel_loop3A_342 = vector.broadcast %parallel_loop3A_341 : i32 to vector<16xi32>
      %parallel_loop3A_343 = arith.andi %parallel_loop3A_340, %parallel_loop3A_342 : vector<16xi32>
      %parallel_loop3A_344 = arith.constant 12 : i32
      %parallel_loop3A_345 = vector.broadcast %parallel_loop3A_344 : i32 to vector<16xi32>
      %parallel_loop3A_346 = arith.shli %parallel_loop3A_334, %parallel_loop3A_345 : vector<16xi32>
      %parallel_loop3A_347 = arith.constant 1 : i32
      %parallel_loop3A_348 = vector.broadcast %parallel_loop3A_347 : i32 to vector<16xi32>
      %parallel_loop3A_349 = arith.shli %parallel_loop3A_337, %parallel_loop3A_348 : vector<16xi32>
      %parallel_loop3A_350 = arith.addi %parallel_loop3A_346, %parallel_loop3A_349 : vector<16xi32>
      %parallel_loop3A_351 = arith.addi %parallel_loop3A_350, %parallel_loop3A_343 : vector<16xi32>
      %parallel_loop3A_352 = arith.index_cast %parallel_loop3A_124 : i32 to index
      %parallel_loop3A_353 = arith.constant 112 : index
      %parallel_loop3A_354 = tpu.vector_load %arg5[%parallel_loop3A_352, %parallel_loop3A_353] {strides = array<i32>} : memref<200x128xi32, #tpu.memory_space<vmem>>, vector<1x16xi32>,
      %parallel_loop3A_355 = vector.shape_cast %parallel_loop3A_354 : vector<1x16xi32> to vector<16xi32>
      %parallel_loop3A_356 = vector.shape_cast %parallel_loop3A_351 : vector<16xi32> to vector<1x16xi32>
      tpu.vector_store %arg5[%parallel_loop3A_352, %parallel_loop3A_353], %parallel_loop3A_356 {strides = array<i32>} : memref<200x128xi32, #tpu.memory_space<vmem>>, vector<1x16xi32>,
    } {sc.loop_unroll_factor = 2 : i64, sc.parallel_access}
    %dma_start3A = arith.constant 0 : i32
    %dma_start3A_5 = arith.constant 0 : i32
    %dma_start3A_6 = arith.constant 0 : i32
    %dma_start3A_7 = arith.constant 0 : i32
    %dma_start3A_8 = tpu.memref_slice %arg6[%dma_start3A_5, %dma_start3A_6, %dma_start3A_7] : memref<8x128x64xf32, #tpu.memory_space<vmem>> -> memref<1x128x64xf32, #tpu.memory_space<vmem>>
    %dma_start3A_9 = tpu.memref_squeeze %dma_start3A_8 : memref<1x128x64xf32, #tpu.memory_space<vmem>> -> memref<128x64xf32, #tpu.memory_space<vmem>>
    %dma_start3A_10 = arith.constant 0 : i32
    %dma_start3A_11 = tpu.memref_slice %arg5[%dma_start3A, %dma_start3A_10] : memref<200x128xi32, #tpu.memory_space<vmem>> -> memref<1x128xi32, #tpu.memory_space<vmem>>
    %dma_start3A_12 = tpu.memref_squeeze %dma_start3A_11 : memref<1x128xi32, #tpu.memory_space<vmem>> -> memref<128xi32, #tpu.memory_space<vmem>>
    %dma_start3A_13 = arith.constant 0 : i32
    %dma_start3A_14 = arith.constant 0 : i32
    %dma_start3A_15 = tpu.memref_slice %arg3[%dma_start3A_13, %dma_start3A_14] : memref<1003520x64xf32, #tpu.memory_space<hbm>> -> memref<1003520x64xf32, #tpu.memory_space<hbm>>
    tpu.enqueue_indirect_dma source(%dma_start3A_15 : memref<1003520x64xf32, #tpu.memory_space<hbm>>) target(%dma_start3A_9 : memref<128x64xf32, #tpu.memory_space<vmem>>) offsets(%dma_start3A_12 : memref<128xi32, #tpu.memory_space<vmem>>) semaphore(%arg7 : memref<!tpu.dma_semaphore, #tpu.memory_space<semaphore_mem>>)
    %dma_start3A_16 = arith.constant 1 : i32
    %dma_start3A_17 = arith.constant 1 : i32
    %dma_start3A_18 = arith.constant 0 : i32
    %dma_start3A_19 = arith.constant 0 : i32
    %dma_start3A_20 = tpu.memref_slice %arg6[%dma_start3A_17, %dma_start3A_18, %dma_start3A_19] : memref<8x128x64xf32, #tpu.memory_space<vmem>> -> memref<1x128x64xf32, #tpu.memory_space<vmem>>
    %dma_start3A_21 = tpu.memref_squeeze %dma_start3A_20 : memref<1x128x64xf32, #tpu.memory_space<vmem>> -> memref<128x64xf32, #tpu.memory_space<vmem>>
    %dma_start3A_22 = arith.constant 0 : i32
    %dma_start3A_23 = tpu.memref_slice %arg5[%dma_start3A_16, %dma_start3A_22] : memref<200x128xi32, #tpu.memory_space<vmem>> -> memref<1x128xi32, #tpu.memory_space<vmem>>
    %dma_start3A_24 = tpu.memref_squeeze %dma_start3A_23 : memref<1x128xi32, #tpu.memory_space<vmem>> -> memref<128xi32, #tpu.memory_space<vmem>>
    %dma_start3A_25 = arith.constant 0 : i32
    %dma_start3A_26 = arith.constant 0 : i32
    %dma_start3A_27 = tpu.memref_slice %arg3[%dma_start3A_25, %dma_start3A_26] : memref<1003520x64xf32, #tpu.memory_space<hbm>> -> memref<1003520x64xf32, #tpu.memory_space<hbm>>
    tpu.enqueue_indirect_dma source(%dma_start3A_27 : memref<1003520x64xf32, #tpu.memory_space<hbm>>) target(%dma_start3A_21 : memref<128x64xf32, #tpu.memory_space<vmem>>) offsets(%dma_start3A_24 : memref<128xi32, #tpu.memory_space<vmem>>) semaphore(%arg8 : memref<!tpu.dma_semaphore, #tpu.memory_space<semaphore_mem>>)
    %dma_start3A_28 = arith.constant 2 : i32
    %dma_start3A_29 = arith.constant 2 : i32
    %dma_start3A_30 = arith.constant 0 : i32
    %dma_start3A_31 = arith.constant 0 : i32
    %dma_start3A_32 = tpu.memref_slice %arg6[%dma_start3A_29, %dma_start3A_30, %dma_start3A_31] : memref<8x128x64xf32, #tpu.memory_space<vmem>> -> memref<1x128x64xf32, #tpu.memory_space<vmem>>
    %dma_start3A_33 = tpu.memref_squeeze %dma_start3A_32 : memref<1x128x64xf32, #tpu.memory_space<vmem>> -> memref<128x64xf32, #tpu.memory_space<vmem>>
    %dma_start3A_34 = arith.constant 0 : i32
    %dma_start3A_35 = tpu.memref_slice %arg5[%dma_start3A_28, %dma_start3A_34] : memref<200x128xi32, #tpu.memory_space<vmem>> -> memref<1x128xi32, #tpu.memory_space<vmem>>
    %dma_start3A_36 = tpu.memref_squeeze %dma_start3A_35 : memref<1x128xi32, #tpu.memory_space<vmem>> -> memref<128xi32, #tpu.memory_space<vmem>>
    %dma_start3A_37 = arith.constant 0 : i32
    %dma_start3A_38 = arith.constant 0 : i32
    %dma_start3A_39 = tpu.memref_slice %arg3[%dma_start3A_37, %dma_start3A_38] : memref<1003520x64xf32, #tpu.memory_space<hbm>> -> memref<1003520x64xf32, #tpu.memory_space<hbm>>
    tpu.enqueue_indirect_dma source(%dma_start3A_39 : memref<1003520x64xf32, #tpu.memory_space<hbm>>) target(%dma_start3A_33 : memref<128x64xf32, #tpu.memory_space<vmem>>) offsets(%dma_start3A_36 : memref<128xi32, #tpu.memory_space<vmem>>) semaphore(%arg9 : memref<!tpu.dma_semaphore, #tpu.memory_space<semaphore_mem>>)
    %dma_start3A_40 = arith.constant 3 : i32
    %dma_start3A_41 = arith.constant 3 : i32
    %dma_start3A_42 = arith.constant 0 : i32
    %dma_start3A_43 = arith.constant 0 : i32
    %dma_start3A_44 = tpu.memref_slice %arg6[%dma_start3A_41, %dma_start3A_42, %dma_start3A_43] : memref<8x128x64xf32, #tpu.memory_space<vmem>> -> memref<1x128x64xf32, #tpu.memory_space<vmem>>
    %dma_start3A_45 = tpu.memref_squeeze %dma_start3A_44 : memref<1x128x64xf32, #tpu.memory_space<vmem>> -> memref<128x64xf32, #tpu.memory_space<vmem>>
    %dma_start3A_46 = arith.constant 0 : i32
    %dma_start3A_47 = tpu.memref_slice %arg5[%dma_start3A_40, %dma_start3A_46] : memref<200x128xi32, #tpu.memory_space<vmem>> -> memref<1x128xi32, #tpu.memory_space<vmem>>
    %dma_start3A_48 = tpu.memref_squeeze %dma_start3A_47 : memref<1x128xi32, #tpu.memory_space<vmem>> -> memref<128xi32, #tpu.memory_space<vmem>>
    %dma_start3A_49 = arith.constant 0 : i32
    %dma_start3A_50 = arith.constant 0 : i32
    %dma_start3A_51 = tpu.memref_slice %arg3[%dma_start3A_49, %dma_start3A_50] : memref<1003520x64xf32, #tpu.memory_space<hbm>> -> memref<1003520x64xf32, #tpu.memory_space<hbm>>
    tpu.enqueue_indirect_dma source(%dma_start3A_51 : memref<1003520x64xf32, #tpu.memory_space<hbm>>) target(%dma_start3A_45 : memref<128x64xf32, #tpu.memory_space<vmem>>) offsets(%dma_start3A_48 : memref<128xi32, #tpu.memory_space<vmem>>) semaphore(%arg10 : memref<!tpu.dma_semaphore, #tpu.memory_space<semaphore_mem>>)
    %scan3A = arith.constant 0 : i32
    %scan3A_52 = arith.constant 0 : i32
    %scan3A_53 = arith.constant 25 : i32
    %scan3A_54 = arith.addi %scan3A_52, %scan3A_53 : i32
    %scan3A_55 = arith.constant 1 : i32
    scf.for %scan3A_124 = %scan3A_52 to %scan3A_54 step %scan3A_55  : i32 {
      %mul3A_125 = arith.constant 8 : i32
      %mul3A_126 = arith.muli %scan3A_124, %mul3A_125 : i32
      %add3A_127 = arith.constant 0 : i32
      %add3A_128 = arith.addi %mul3A_126, %add3A_127 : i32
      %dma_wait3A_129 = arith.constant 0 : i32
      %dma_wait3A_130 = arith.constant 0 : i32
      %dma_wait3A_131 = arith.constant 0 : i32
      %dma_wait3A_132 = tpu.memref_slice %arg6[%dma_wait3A_129, %dma_wait3A_130, %dma_wait3A_131] : memref<8x128x64xf32, #tpu.memory_space<vmem>> -> memref<1x128x64xf32, #tpu.memory_space<vmem>>
      %dma_wait3A_133 = tpu.memref_squeeze %dma_wait3A_132 : memref<1x128x64xf32, #tpu.memory_space<vmem>> -> memref<128x64xf32, #tpu.memory_space<vmem>>
      %dma_wait3A_134 = arith.constant 0 : i32
      %dma_wait3A_135 = tpu.memref_slice %arg5[%add3A_128, %dma_wait3A_134] : memref<200x128xi32, #tpu.memory_space<vmem>> -> memref<1x128xi32, #tpu.memory_space<vmem>>
      %dma_wait3A_136 = tpu.memref_squeeze %dma_wait3A_135 : memref<1x128xi32, #tpu.memory_space<vmem>> -> memref<128xi32, #tpu.memory_space<vmem>>
      %dma_wait3A_137 = arith.constant 0 : i32
      %dma_wait3A_138 = arith.constant 0 : i32
      %dma_wait3A_139 = tpu.memref_slice %arg3[%dma_wait3A_137, %dma_wait3A_138] : memref<1003520x64xf32, #tpu.memory_space<hbm>> -> memref<1003520x64xf32, #tpu.memory_space<hbm>>
      tpu.wait_indirect_dma semaphore(%arg7 : memref<!tpu.dma_semaphore, #tpu.memory_space<semaphore_mem>>) src(%dma_wait3A_139 : memref<1003520x64xf32, #tpu.memory_space<hbm>>) dst(%dma_wait3A_133 : memref<128x64xf32, #tpu.memory_space<vmem>>)
      %add3A_140 = arith.addi %mul3A_2, %add3A_128 : i32
      %mul3A_141 = arith.constant 128 : i32
      %mul3A_142 = arith.muli %add3A_140, %mul3A_141 : i32
      %dma_start3A_143 = arith.constant 0 : i32
      %dma_start3A_144 = arith.constant 0 : i32
      %dma_start3A_145 = arith.constant 0 : i32
      %dma_start3A_146 = tpu.memref_slice %arg6[%dma_start3A_143, %dma_start3A_144, %dma_start3A_145] : memref<8x128x64xf32, #tpu.memory_space<vmem>> -> memref<1x128x64xf32, #tpu.memory_space<vmem>>
      %dma_start3A_147 = tpu.memref_squeeze %dma_start3A_146 : memref<1x128x64xf32, #tpu.memory_space<vmem>> -> memref<128x64xf32, #tpu.memory_space<vmem>>
      %dma_start3A_148 = arith.constant 0 : i32
      %dma_start3A_149 = tpu.memref_slice %arg4[%mul3A_142, %dma_start3A_148] : memref<819200x64xf32, #tpu.memory_space<hbm>> -> memref<128x64xf32, #tpu.memory_space<hbm>>
      %dma_start3A_150 = arith.constant 0 : i32
      %dma_start3A_151 = tpu.memref_slice %arg4[%mul3A_142, %dma_start3A_150] : memref<819200x64xf32, #tpu.memory_space<hbm>> -> memref<128x64xf32, #tpu.memory_space<hbm>>
      %dma_start3A_152 = arith.constant 0 : i32
      %dma_start3A_153 = arith.constant 0 : i32
      %dma_start3A_154 = tpu.memref_slice %arg6[%dma_start3A_143, %dma_start3A_152, %dma_start3A_153] : memref<8x128x64xf32, #tpu.memory_space<vmem>> -> memref<1x128x64xf32, #tpu.memory_space<vmem>>
      %dma_start3A_155 = tpu.memref_squeeze %dma_start3A_154 : memref<1x128x64xf32, #tpu.memory_space<vmem>> -> memref<128x64xf32, #tpu.memory_space<vmem>>
      tpu.enqueue_dma source(%dma_start3A_155 : memref<128x64xf32, #tpu.memory_space<vmem>>) target(%dma_start3A_151 : memref<128x64xf32, #tpu.memory_space<hbm>>) target_semaphore(%arg15 : memref<!tpu.dma_semaphore, #tpu.memory_space<semaphore_mem>>)
      %add3A_156 = arith.constant 4 : i32
      %add3A_157 = arith.addi %add3A_128, %add3A_156 : i32
      %gt3A = arith.constant 0 : i32
      %gt3A_158 = arith.cmpi sgt, %scan3A_124, %gt3A : i32
      %convert_element_type3A = arith.extui %gt3A_158 : i1 to i32
      %cond3A = arith.constant 0 : i32
      %cond3A_159 = arith.cmpi ne, %convert_element_type3A, %cond3A : i32
      scf.if %cond3A_159 {
        %sub3A_516 = arith.constant 4 : i32
        %sub3A_517 = arith.subi %add3A_128, %sub3A_516 : i32
        %add3A_518 = arith.addi %mul3A_2, %sub3A_517 : i32
        %mul3A_519 = arith.constant 128 : i32
        %mul3A_520 = arith.muli %add3A_518, %mul3A_519 : i32
        %dma_wait3A_521 = arith.constant 4 : i32
        %dma_wait3A_522 = arith.constant 0 : i32
        %dma_wait3A_523 = arith.constant 0 : i32
        %dma_wait3A_524 = tpu.memref_slice %arg6[%dma_wait3A_521, %dma_wait3A_522, %dma_wait3A_523] : memref<8x128x64xf32, #tpu.memory_space<vmem>> -> memref<1x128x64xf32, #tpu.memory_space<vmem>>
        %dma_wait3A_525 = tpu.memref_squeeze %dma_wait3A_524 : memref<1x128x64xf32, #tpu.memory_space<vmem>> -> memref<128x64xf32, #tpu.memory_space<vmem>>
        %dma_wait3A_526 = arith.constant 0 : i32
        %dma_wait3A_527 = tpu.memref_slice %arg4[%mul3A_520, %dma_wait3A_526] : memref<819200x64xf32, #tpu.memory_space<hbm>> -> memref<128x64xf32, #tpu.memory_space<hbm>>
        %dma_wait3A_528 = arith.constant 0 : i32
        %dma_wait3A_529 = tpu.memref_slice %arg4[%mul3A_520, %dma_wait3A_528] : memref<819200x64xf32, #tpu.memory_space<hbm>> -> memref<128x64xf32, #tpu.memory_space<hbm>>
        %dma_wait3A_530 = arith.constant 0 : i32
        %dma_wait3A_531 = arith.constant 0 : i32
        %dma_wait3A_532 = tpu.memref_slice %arg6[%dma_wait3A_521, %dma_wait3A_530, %dma_wait3A_531] : memref<8x128x64xf32, #tpu.memory_space<vmem>> -> memref<1x128x64xf32, #tpu.memory_space<vmem>>
        %dma_wait3A_533 = tpu.memref_squeeze %dma_wait3A_532 : memref<1x128x64xf32, #tpu.memory_space<vmem>> -> memref<128x64xf32, #tpu.memory_space<vmem>>
        tpu.wait_dma2 semaphore(%arg19 : memref<!tpu.dma_semaphore, #tpu.memory_space<semaphore_mem>>) src(%dma_wait3A_533 : memref<128x64xf32, #tpu.memory_space<vmem>>) dst(%dma_wait3A_529 : memref<128x64xf32, #tpu.memory_space<hbm>>)
      } else {
      }
      %lt3A = arith.constant 200 : i32
      %lt3A_160 = arith.cmpi slt, %add3A_157, %lt3A : i32
      %convert_element_type3A_161 = arith.extui %lt3A_160 : i1 to i32
      %cond3A_162 = arith.constant 0 : i32
      %cond3A_163 = arith.cmpi ne, %convert_element_type3A_161, %cond3A_162 : i32
      scf.if %cond3A_163 {
        %dma_start3A_516 = arith.constant 4 : i32
        %dma_start3A_517 = arith.constant 0 : i32
        %dma_start3A_518 = arith.constant 0 : i32
        %dma_start3A_519 = tpu.memref_slice %arg6[%dma_start3A_516, %dma_start3A_517, %dma_start3A_518] : memref<8x128x64xf32, #tpu.memory_space<vmem>> -> memref<1x128x64xf32, #tpu.memory_space<vmem>>
        %dma_start3A_520 = tpu.memref_squeeze %dma_start3A_519 : memref<1x128x64xf32, #tpu.memory_space<vmem>> -> memref<128x64xf32, #tpu.memory_space<vmem>>
        %dma_start3A_521 = arith.constant 0 : i32
        %dma_start3A_522 = tpu.memref_slice %arg5[%add3A_157, %dma_start3A_521] : memref<200x128xi32, #tpu.memory_space<vmem>> -> memref<1x128xi32, #tpu.memory_space<vmem>>
        %dma_start3A_523 = tpu.memref_squeeze %dma_start3A_522 : memref<1x128xi32, #tpu.memory_space<vmem>> -> memref<128xi32, #tpu.memory_space<vmem>>
        %dma_start3A_524 = arith.constant 0 : i32
        %dma_start3A_525 = arith.constant 0 : i32
        %dma_start3A_526 = tpu.memref_slice %arg3[%dma_start3A_524, %dma_start3A_525] : memref<1003520x64xf32, #tpu.memory_space<hbm>> -> memref<1003520x64xf32, #tpu.memory_space<hbm>>
        tpu.enqueue_indirect_dma source(%dma_start3A_526 : memref<1003520x64xf32, #tpu.memory_space<hbm>>) target(%dma_start3A_520 : memref<128x64xf32, #tpu.memory_space<vmem>>) offsets(%dma_start3A_523 : memref<128xi32, #tpu.memory_space<vmem>>) semaphore(%arg11 : memref<!tpu.dma_semaphore, #tpu.memory_space<semaphore_mem>>)
      } else {
      }
      %mul3A_164 = arith.constant 8 : i32
      %mul3A_165 = arith.muli %scan3A_124, %mul3A_164 : i32
      %add3A_166 = arith.constant 1 : i32
      %add3A_167 = arith.addi %mul3A_165, %add3A_166 : i32
      %dma_wait3A_168 = arith.constant 1 : i32
      %dma_wait3A_169 = arith.constant 0 : i32
      %dma_wait3A_170 = arith.constant 0 : i32
      %dma_wait3A_171 = tpu.memref_slice %arg6[%dma_wait3A_168, %dma_wait3A_169, %dma_wait3A_170] : memref<8x128x64xf32, #tpu.memory_space<vmem>> -> memref<1x128x64xf32, #tpu.memory_space<vmem>>
      %dma_wait3A_172 = tpu.memref_squeeze %dma_wait3A_171 : memref<1x128x64xf32, #tpu.memory_space<vmem>> -> memref<128x64xf32, #tpu.memory_space<vmem>>
      %dma_wait3A_173 = arith.constant 0 : i32
      %dma_wait3A_174 = tpu.memref_slice %arg5[%add3A_167, %dma_wait3A_173] : memref<200x128xi32, #tpu.memory_space<vmem>> -> memref<1x128xi32, #tpu.memory_space<vmem>>
      %dma_wait3A_175 = tpu.memref_squeeze %dma_wait3A_174 : memref<1x128xi32, #tpu.memory_space<vmem>> -> memref<128xi32, #tpu.memory_space<vmem>>
      %dma_wait3A_176 = arith.constant 0 : i32
      %dma_wait3A_177 = arith.constant 0 : i32
      %dma_wait3A_178 = tpu.memref_slice %arg3[%dma_wait3A_176, %dma_wait3A_177] : memref<1003520x64xf32, #tpu.memory_space<hbm>> -> memref<1003520x64xf32, #tpu.memory_space<hbm>>
      tpu.wait_indirect_dma semaphore(%arg8 : memref<!tpu.dma_semaphore, #tpu.memory_space<semaphore_mem>>) src(%dma_wait3A_178 : memref<1003520x64xf32, #tpu.memory_space<hbm>>) dst(%dma_wait3A_172 : memref<128x64xf32, #tpu.memory_space<vmem>>)
      %add3A_179 = arith.addi %mul3A_2, %add3A_167 : i32
      %mul3A_180 = arith.constant 128 : i32
      %mul3A_181 = arith.muli %add3A_179, %mul3A_180 : i32
      %dma_start3A_182 = arith.constant 1 : i32
      %dma_start3A_183 = arith.constant 0 : i32
      %dma_start3A_184 = arith.constant 0 : i32
      %dma_start3A_185 = tpu.memref_slice %arg6[%dma_start3A_182, %dma_start3A_183, %dma_start3A_184] : memref<8x128x64xf32, #tpu.memory_space<vmem>> -> memref<1x128x64xf32, #tpu.memory_space<vmem>>
      %dma_start3A_186 = tpu.memref_squeeze %dma_start3A_185 : memref<1x128x64xf32, #tpu.memory_space<vmem>> -> memref<128x64xf32, #tpu.memory_space<vmem>>
      %dma_start3A_187 = arith.constant 0 : i32
      %dma_start3A_188 = tpu.memref_slice %arg4[%mul3A_181, %dma_start3A_187] : memref<819200x64xf32, #tpu.memory_space<hbm>> -> memref<128x64xf32, #tpu.memory_space<hbm>>
      %dma_start3A_189 = arith.constant 0 : i32
      %dma_start3A_190 = tpu.memref_slice %arg4[%mul3A_181, %dma_start3A_189] : memref<819200x64xf32, #tpu.memory_space<hbm>> -> memref<128x64xf32, #tpu.memory_space<hbm>>
      %dma_start3A_191 = arith.constant 0 : i32
      %dma_start3A_192 = arith.constant 0 : i32
      %dma_start3A_193 = tpu.memref_slice %arg6[%dma_start3A_182, %dma_start3A_191, %dma_start3A_192] : memref<8x128x64xf32, #tpu.memory_space<vmem>> -> memref<1x128x64xf32, #tpu.memory_space<vmem>>
      %dma_start3A_194 = tpu.memref_squeeze %dma_start3A_193 : memref<1x128x64xf32, #tpu.memory_space<vmem>> -> memref<128x64xf32, #tpu.memory_space<vmem>>
      tpu.enqueue_dma source(%dma_start3A_194 : memref<128x64xf32, #tpu.memory_space<vmem>>) target(%dma_start3A_190 : memref<128x64xf32, #tpu.memory_space<hbm>>) target_semaphore(%arg16 : memref<!tpu.dma_semaphore, #tpu.memory_space<semaphore_mem>>)
      %add3A_195 = arith.constant 4 : i32
      %add3A_196 = arith.addi %add3A_167, %add3A_195 : i32
      %gt3A_197 = arith.constant 0 : i32
      %gt3A_198 = arith.cmpi sgt, %scan3A_124, %gt3A_197 : i32
      %convert_element_type3A_199 = arith.extui %gt3A_198 : i1 to i32
      %cond3A_200 = arith.constant 0 : i32
      %cond3A_201 = arith.cmpi ne, %convert_element_type3A_199, %cond3A_200 : i32
      scf.if %cond3A_201 {
        %sub3A_516 = arith.constant 4 : i32
        %sub3A_517 = arith.subi %add3A_167, %sub3A_516 : i32
        %add3A_518 = arith.addi %mul3A_2, %sub3A_517 : i32
        %mul3A_519 = arith.constant 128 : i32
        %mul3A_520 = arith.muli %add3A_518, %mul3A_519 : i32
        %dma_wait3A_521 = arith.constant 5 : i32
        %dma_wait3A_522 = arith.constant 0 : i32
        %dma_wait3A_523 = arith.constant 0 : i32
        %dma_wait3A_524 = tpu.memref_slice %arg6[%dma_wait3A_521, %dma_wait3A_522, %dma_wait3A_523] : memref<8x128x64xf32, #tpu.memory_space<vmem>> -> memref<1x128x64xf32, #tpu.memory_space<vmem>>
        %dma_wait3A_525 = tpu.memref_squeeze %dma_wait3A_524 : memref<1x128x64xf32, #tpu.memory_space<vmem>> -> memref<128x64xf32, #tpu.memory_space<vmem>>
        %dma_wait3A_526 = arith.constant 0 : i32
        %dma_wait3A_527 = tpu.memref_slice %arg4[%mul3A_520, %dma_wait3A_526] : memref<819200x64xf32, #tpu.memory_space<hbm>> -> memref<128x64xf32, #tpu.memory_space<hbm>>
        %dma_wait3A_528 = arith.constant 0 : i32
        %dma_wait3A_529 = tpu.memref_slice %arg4[%mul3A_520, %dma_wait3A_528] : memref<819200x64xf32, #tpu.memory_space<hbm>> -> memref<128x64xf32, #tpu.memory_space<hbm>>
        %dma_wait3A_530 = arith.constant 0 : i32
        %dma_wait3A_531 = arith.constant 0 : i32
        %dma_wait3A_532 = tpu.memref_slice %arg6[%dma_wait3A_521, %dma_wait3A_530, %dma_wait3A_531] : memref<8x128x64xf32, #tpu.memory_space<vmem>> -> memref<1x128x64xf32, #tpu.memory_space<vmem>>
        %dma_wait3A_533 = tpu.memref_squeeze %dma_wait3A_532 : memref<1x128x64xf32, #tpu.memory_space<vmem>> -> memref<128x64xf32, #tpu.memory_space<vmem>>
        tpu.wait_dma2 semaphore(%arg20 : memref<!tpu.dma_semaphore, #tpu.memory_space<semaphore_mem>>) src(%dma_wait3A_533 : memref<128x64xf32, #tpu.memory_space<vmem>>) dst(%dma_wait3A_529 : memref<128x64xf32, #tpu.memory_space<hbm>>)
      } else {
      }
      %lt3A_202 = arith.constant 200 : i32
      %lt3A_203 = arith.cmpi slt, %add3A_196, %lt3A_202 : i32
      %convert_element_type3A_204 = arith.extui %lt3A_203 : i1 to i32
      %cond3A_205 = arith.constant 0 : i32
      %cond3A_206 = arith.cmpi ne, %convert_element_type3A_204, %cond3A_205 : i32
      scf.if %cond3A_206 {
        %dma_start3A_516 = arith.constant 5 : i32
        %dma_start3A_517 = arith.constant 0 : i32
        %dma_start3A_518 = arith.constant 0 : i32
        %dma_start3A_519 = tpu.memref_slice %arg6[%dma_start3A_516, %dma_start3A_517, %dma_start3A_518] : memref<8x128x64xf32, #tpu.memory_space<vmem>> -> memref<1x128x64xf32, #tpu.memory_space<vmem>>
        %dma_start3A_520 = tpu.memref_squeeze %dma_start3A_519 : memref<1x128x64xf32, #tpu.memory_space<vmem>> -> memref<128x64xf32, #tpu.memory_space<vmem>>
        %dma_start3A_521 = arith.constant 0 : i32
        %dma_start3A_522 = tpu.memref_slice %arg5[%add3A_196, %dma_start3A_521] : memref<200x128xi32, #tpu.memory_space<vmem>> -> memref<1x128xi32, #tpu.memory_space<vmem>>
        %dma_start3A_523 = tpu.memref_squeeze %dma_start3A_522 : memref<1x128xi32, #tpu.memory_space<vmem>> -> memref<128xi32, #tpu.memory_space<vmem>>
        %dma_start3A_524 = arith.constant 0 : i32
        %dma_start3A_525 = arith.constant 0 : i32
        %dma_start3A_526 = tpu.memref_slice %arg3[%dma_start3A_524, %dma_start3A_525] : memref<1003520x64xf32, #tpu.memory_space<hbm>> -> memref<1003520x64xf32, #tpu.memory_space<hbm>>
        tpu.enqueue_indirect_dma source(%dma_start3A_526 : memref<1003520x64xf32, #tpu.memory_space<hbm>>) target(%dma_start3A_520 : memref<128x64xf32, #tpu.memory_space<vmem>>) offsets(%dma_start3A_523 : memref<128xi32, #tpu.memory_space<vmem>>) semaphore(%arg12 : memref<!tpu.dma_semaphore, #tpu.memory_space<semaphore_mem>>)
      } else {
      }
      %mul3A_207 = arith.constant 8 : i32
      %mul3A_208 = arith.muli %scan3A_124, %mul3A_207 : i32
      %add3A_209 = arith.constant 2 : i32
      %add3A_210 = arith.addi %mul3A_208, %add3A_209 : i32
      %dma_wait3A_211 = arith.constant 2 : i32
      %dma_wait3A_212 = arith.constant 0 : i32
      %dma_wait3A_213 = arith.constant 0 : i32
      %dma_wait3A_214 = tpu.memref_slice %arg6[%dma_wait3A_211, %dma_wait3A_212, %dma_wait3A_213] : memref<8x128x64xf32, #tpu.memory_space<vmem>> -> memref<1x128x64xf32, #tpu.memory_space<vmem>>
      %dma_wait3A_215 = tpu.memref_squeeze %dma_wait3A_214 : memref<1x128x64xf32, #tpu.memory_space<vmem>> -> memref<128x64xf32, #tpu.memory_space<vmem>>
      %dma_wait3A_216 = arith.constant 0 : i32
      %dma_wait3A_217 = tpu.memref_slice %arg5[%add3A_210, %dma_wait3A_216] : memref<200x128xi32, #tpu.memory_space<vmem>> -> memref<1x128xi32, #tpu.memory_space<vmem>>
      %dma_wait3A_218 = tpu.memref_squeeze %dma_wait3A_217 : memref<1x128xi32, #tpu.memory_space<vmem>> -> memref<128xi32, #tpu.memory_space<vmem>>
      %dma_wait3A_219 = arith.constant 0 : i32
      %dma_wait3A_220 = arith.constant 0 : i32
      %dma_wait3A_221 = tpu.memref_slice %arg3[%dma_wait3A_219, %dma_wait3A_220] : memref<1003520x64xf32, #tpu.memory_space<hbm>> -> memref<1003520x64xf32, #tpu.memory_space<hbm>>
      tpu.wait_indirect_dma semaphore(%arg9 : memref<!tpu.dma_semaphore, #tpu.memory_space<semaphore_mem>>) src(%dma_wait3A_221 : memref<1003520x64xf32, #tpu.memory_space<hbm>>) dst(%dma_wait3A_215 : memref<128x64xf32, #tpu.memory_space<vmem>>)
      %add3A_222 = arith.addi %mul3A_2, %add3A_210 : i32
      %mul3A_223 = arith.constant 128 : i32
      %mul3A_224 = arith.muli %add3A_222, %mul3A_223 : i32
      %dma_start3A_225 = arith.constant 2 : i32
      %dma_start3A_226 = arith.constant 0 : i32
      %dma_start3A_227 = arith.constant 0 : i32
      %dma_start3A_228 = tpu.memref_slice %arg6[%dma_start3A_225, %dma_start3A_226, %dma_start3A_227] : memref<8x128x64xf32, #tpu.memory_space<vmem>> -> memref<1x128x64xf32, #tpu.memory_space<vmem>>
      %dma_start3A_229 = tpu.memref_squeeze %dma_start3A_228 : memref<1x128x64xf32, #tpu.memory_space<vmem>> -> memref<128x64xf32, #tpu.memory_space<vmem>>
      %dma_start3A_230 = arith.constant 0 : i32
      %dma_start3A_231 = tpu.memref_slice %arg4[%mul3A_224, %dma_start3A_230] : memref<819200x64xf32, #tpu.memory_space<hbm>> -> memref<128x64xf32, #tpu.memory_space<hbm>>
      %dma_start3A_232 = arith.constant 0 : i32
      %dma_start3A_233 = tpu.memref_slice %arg4[%mul3A_224, %dma_start3A_232] : memref<819200x64xf32, #tpu.memory_space<hbm>> -> memref<128x64xf32, #tpu.memory_space<hbm>>
      %dma_start3A_234 = arith.constant 0 : i32
      %dma_start3A_235 = arith.constant 0 : i32
      %dma_start3A_236 = tpu.memref_slice %arg6[%dma_start3A_225, %dma_start3A_234, %dma_start3A_235] : memref<8x128x64xf32, #tpu.memory_space<vmem>> -> memref<1x128x64xf32, #tpu.memory_space<vmem>>
      %dma_start3A_237 = tpu.memref_squeeze %dma_start3A_236 : memref<1x128x64xf32, #tpu.memory_space<vmem>> -> memref<128x64xf32, #tpu.memory_space<vmem>>
      tpu.enqueue_dma source(%dma_start3A_237 : memref<128x64xf32, #tpu.memory_space<vmem>>) target(%dma_start3A_233 : memref<128x64xf32, #tpu.memory_space<hbm>>) target_semaphore(%arg17 : memref<!tpu.dma_semaphore, #tpu.memory_space<semaphore_mem>>)
      %add3A_238 = arith.constant 4 : i32
      %add3A_239 = arith.addi %add3A_210, %add3A_238 : i32
      %gt3A_240 = arith.constant 0 : i32
      %gt3A_241 = arith.cmpi sgt, %scan3A_124, %gt3A_240 : i32
      %convert_element_type3A_242 = arith.extui %gt3A_241 : i1 to i32
      %cond3A_243 = arith.constant 0 : i32
      %cond3A_244 = arith.cmpi ne, %convert_element_type3A_242, %cond3A_243 : i32
      scf.if %cond3A_244 {
        %sub3A_516 = arith.constant 4 : i32
        %sub3A_517 = arith.subi %add3A_210, %sub3A_516 : i32
        %add3A_518 = arith.addi %mul3A_2, %sub3A_517 : i32
        %mul3A_519 = arith.constant 128 : i32
        %mul3A_520 = arith.muli %add3A_518, %mul3A_519 : i32
        %dma_wait3A_521 = arith.constant 6 : i32
        %dma_wait3A_522 = arith.constant 0 : i32
        %dma_wait3A_523 = arith.constant 0 : i32
        %dma_wait3A_524 = tpu.memref_slice %arg6[%dma_wait3A_521, %dma_wait3A_522, %dma_wait3A_523] : memref<8x128x64xf32, #tpu.memory_space<vmem>> -> memref<1x128x64xf32, #tpu.memory_space<vmem>>
        %dma_wait3A_525 = tpu.memref_squeeze %dma_wait3A_524 : memref<1x128x64xf32, #tpu.memory_space<vmem>> -> memref<128x64xf32, #tpu.memory_space<vmem>>
        %dma_wait3A_526 = arith.constant 0 : i32
        %dma_wait3A_527 = tpu.memref_slice %arg4[%mul3A_520, %dma_wait3A_526] : memref<819200x64xf32, #tpu.memory_space<hbm>> -> memref<128x64xf32, #tpu.memory_space<hbm>>
        %dma_wait3A_528 = arith.constant 0 : i32
        %dma_wait3A_529 = tpu.memref_slice %arg4[%mul3A_520, %dma_wait3A_528] : memref<819200x64xf32, #tpu.memory_space<hbm>> -> memref<128x64xf32, #tpu.memory_space<hbm>>
        %dma_wait3A_530 = arith.constant 0 : i32
        %dma_wait3A_531 = arith.constant 0 : i32
        %dma_wait3A_532 = tpu.memref_slice %arg6[%dma_wait3A_521, %dma_wait3A_530, %dma_wait3A_531] : memref<8x128x64xf32, #tpu.memory_space<vmem>> -> memref<1x128x64xf32, #tpu.memory_space<vmem>>
        %dma_wait3A_533 = tpu.memref_squeeze %dma_wait3A_532 : memref<1x128x64xf32, #tpu.memory_space<vmem>> -> memref<128x64xf32, #tpu.memory_space<vmem>>
        tpu.wait_dma2 semaphore(%arg21 : memref<!tpu.dma_semaphore, #tpu.memory_space<semaphore_mem>>) src(%dma_wait3A_533 : memref<128x64xf32, #tpu.memory_space<vmem>>) dst(%dma_wait3A_529 : memref<128x64xf32, #tpu.memory_space<hbm>>)
      } else {
      }
      %lt3A_245 = arith.constant 200 : i32
      %lt3A_246 = arith.cmpi slt, %add3A_239, %lt3A_245 : i32
      %convert_element_type3A_247 = arith.extui %lt3A_246 : i1 to i32
      %cond3A_248 = arith.constant 0 : i32
      %cond3A_249 = arith.cmpi ne, %convert_element_type3A_247, %cond3A_248 : i32
      scf.if %cond3A_249 {
        %dma_start3A_516 = arith.constant 6 : i32
        %dma_start3A_517 = arith.constant 0 : i32
        %dma_start3A_518 = arith.constant 0 : i32
        %dma_start3A_519 = tpu.memref_slice %arg6[%dma_start3A_516, %dma_start3A_517, %dma_start3A_518] : memref<8x128x64xf32, #tpu.memory_space<vmem>> -> memref<1x128x64xf32, #tpu.memory_space<vmem>>
        %dma_start3A_520 = tpu.memref_squeeze %dma_start3A_519 : memref<1x128x64xf32, #tpu.memory_space<vmem>> -> memref<128x64xf32, #tpu.memory_space<vmem>>
        %dma_start3A_521 = arith.constant 0 : i32
        %dma_start3A_522 = tpu.memref_slice %arg5[%add3A_239, %dma_start3A_521] : memref<200x128xi32, #tpu.memory_space<vmem>> -> memref<1x128xi32, #tpu.memory_space<vmem>>
        %dma_start3A_523 = tpu.memref_squeeze %dma_start3A_522 : memref<1x128xi32, #tpu.memory_space<vmem>> -> memref<128xi32, #tpu.memory_space<vmem>>
        %dma_start3A_524 = arith.constant 0 : i32
        %dma_start3A_525 = arith.constant 0 : i32
        %dma_start3A_526 = tpu.memref_slice %arg3[%dma_start3A_524, %dma_start3A_525] : memref<1003520x64xf32, #tpu.memory_space<hbm>> -> memref<1003520x64xf32, #tpu.memory_space<hbm>>
        tpu.enqueue_indirect_dma source(%dma_start3A_526 : memref<1003520x64xf32, #tpu.memory_space<hbm>>) target(%dma_start3A_520 : memref<128x64xf32, #tpu.memory_space<vmem>>) offsets(%dma_start3A_523 : memref<128xi32, #tpu.memory_space<vmem>>) semaphore(%arg13 : memref<!tpu.dma_semaphore, #tpu.memory_space<semaphore_mem>>)
      } else {
      }
      %mul3A_250 = arith.constant 8 : i32
      %mul3A_251 = arith.muli %scan3A_124, %mul3A_250 : i32
      %add3A_252 = arith.constant 3 : i32
      %add3A_253 = arith.addi %mul3A_251, %add3A_252 : i32
      %dma_wait3A_254 = arith.constant 3 : i32
      %dma_wait3A_255 = arith.constant 0 : i32
      %dma_wait3A_256 = arith.constant 0 : i32
      %dma_wait3A_257 = tpu.memref_slice %arg6[%dma_wait3A_254, %dma_wait3A_255, %dma_wait3A_256] : memref<8x128x64xf32, #tpu.memory_space<vmem>> -> memref<1x128x64xf32, #tpu.memory_space<vmem>>
      %dma_wait3A_258 = tpu.memref_squeeze %dma_wait3A_257 : memref<1x128x64xf32, #tpu.memory_space<vmem>> -> memref<128x64xf32, #tpu.memory_space<vmem>>
      %dma_wait3A_259 = arith.constant 0 : i32
      %dma_wait3A_260 = tpu.memref_slice %arg5[%add3A_253, %dma_wait3A_259] : memref<200x128xi32, #tpu.memory_space<vmem>> -> memref<1x128xi32, #tpu.memory_space<vmem>>
      %dma_wait3A_261 = tpu.memref_squeeze %dma_wait3A_260 : memref<1x128xi32, #tpu.memory_space<vmem>> -> memref<128xi32, #tpu.memory_space<vmem>>
      %dma_wait3A_262 = arith.constant 0 : i32
      %dma_wait3A_263 = arith.constant 0 : i32
      %dma_wait3A_264 = tpu.memref_slice %arg3[%dma_wait3A_262, %dma_wait3A_263] : memref<1003520x64xf32, #tpu.memory_space<hbm>> -> memref<1003520x64xf32, #tpu.memory_space<hbm>>
      tpu.wait_indirect_dma semaphore(%arg10 : memref<!tpu.dma_semaphore, #tpu.memory_space<semaphore_mem>>) src(%dma_wait3A_264 : memref<1003520x64xf32, #tpu.memory_space<hbm>>) dst(%dma_wait3A_258 : memref<128x64xf32, #tpu.memory_space<vmem>>)
      %add3A_265 = arith.addi %mul3A_2, %add3A_253 : i32
      %mul3A_266 = arith.constant 128 : i32
      %mul3A_267 = arith.muli %add3A_265, %mul3A_266 : i32
      %dma_start3A_268 = arith.constant 3 : i32
      %dma_start3A_269 = arith.constant 0 : i32
      %dma_start3A_270 = arith.constant 0 : i32
      %dma_start3A_271 = tpu.memref_slice %arg6[%dma_start3A_268, %dma_start3A_269, %dma_start3A_270] : memref<8x128x64xf32, #tpu.memory_space<vmem>> -> memref<1x128x64xf32, #tpu.memory_space<vmem>>
      %dma_start3A_272 = tpu.memref_squeeze %dma_start3A_271 : memref<1x128x64xf32, #tpu.memory_space<vmem>> -> memref<128x64xf32, #tpu.memory_space<vmem>>
      %dma_start3A_273 = arith.constant 0 : i32
      %dma_start3A_274 = tpu.memref_slice %arg4[%mul3A_267, %dma_start3A_273] : memref<819200x64xf32, #tpu.memory_space<hbm>> -> memref<128x64xf32, #tpu.memory_space<hbm>>
      %dma_start3A_275 = arith.constant 0 : i32
      %dma_start3A_276 = tpu.memref_slice %arg4[%mul3A_267, %dma_start3A_275] : memref<819200x64xf32, #tpu.memory_space<hbm>> -> memref<128x64xf32, #tpu.memory_space<hbm>>
      %dma_start3A_277 = arith.constant 0 : i32
      %dma_start3A_278 = arith.constant 0 : i32
      %dma_start3A_279 = tpu.memref_slice %arg6[%dma_start3A_268, %dma_start3A_277, %dma_start3A_278] : memref<8x128x64xf32, #tpu.memory_space<vmem>> -> memref<1x128x64xf32, #tpu.memory_space<vmem>>
      %dma_start3A_280 = tpu.memref_squeeze %dma_start3A_279 : memref<1x128x64xf32, #tpu.memory_space<vmem>> -> memref<128x64xf32, #tpu.memory_space<vmem>>
      tpu.enqueue_dma source(%dma_start3A_280 : memref<128x64xf32, #tpu.memory_space<vmem>>) target(%dma_start3A_276 : memref<128x64xf32, #tpu.memory_space<hbm>>) target_semaphore(%arg18 : memref<!tpu.dma_semaphore, #tpu.memory_space<semaphore_mem>>)
      %add3A_281 = arith.constant 4 : i32
      %add3A_282 = arith.addi %add3A_253, %add3A_281 : i32
      %gt3A_283 = arith.constant 0 : i32
      %gt3A_284 = arith.cmpi sgt, %scan3A_124, %gt3A_283 : i32
      %convert_element_type3A_285 = arith.extui %gt3A_284 : i1 to i32
      %cond3A_286 = arith.constant 0 : i32
      %cond3A_287 = arith.cmpi ne, %convert_element_type3A_285, %cond3A_286 : i32
      scf.if %cond3A_287 {
        %sub3A_516 = arith.constant 4 : i32
        %sub3A_517 = arith.subi %add3A_253, %sub3A_516 : i32
        %add3A_518 = arith.addi %mul3A_2, %sub3A_517 : i32
        %mul3A_519 = arith.constant 128 : i32
        %mul3A_520 = arith.muli %add3A_518, %mul3A_519 : i32
        %dma_wait3A_521 = arith.constant 7 : i32
        %dma_wait3A_522 = arith.constant 0 : i32
        %dma_wait3A_523 = arith.constant 0 : i32
        %dma_wait3A_524 = tpu.memref_slice %arg6[%dma_wait3A_521, %dma_wait3A_522, %dma_wait3A_523] : memref<8x128x64xf32, #tpu.memory_space<vmem>> -> memref<1x128x64xf32, #tpu.memory_space<vmem>>
        %dma_wait3A_525 = tpu.memref_squeeze %dma_wait3A_524 : memref<1x128x64xf32, #tpu.memory_space<vmem>> -> memref<128x64xf32, #tpu.memory_space<vmem>>
        %dma_wait3A_526 = arith.constant 0 : i32
        %dma_wait3A_527 = tpu.memref_slice %arg4[%mul3A_520, %dma_wait3A_526] : memref<819200x64xf32, #tpu.memory_space<hbm>> -> memref<128x64xf32, #tpu.memory_space<hbm>>
        %dma_wait3A_528 = arith.constant 0 : i32
        %dma_wait3A_529 = tpu.memref_slice %arg4[%mul3A_520, %dma_wait3A_528] : memref<819200x64xf32, #tpu.memory_space<hbm>> -> memref<128x64xf32, #tpu.memory_space<hbm>>
        %dma_wait3A_530 = arith.constant 0 : i32
        %dma_wait3A_531 = arith.constant 0 : i32
        %dma_wait3A_532 = tpu.memref_slice %arg6[%dma_wait3A_521, %dma_wait3A_530, %dma_wait3A_531] : memref<8x128x64xf32, #tpu.memory_space<vmem>> -> memref<1x128x64xf32, #tpu.memory_space<vmem>>
        %dma_wait3A_533 = tpu.memref_squeeze %dma_wait3A_532 : memref<1x128x64xf32, #tpu.memory_space<vmem>> -> memref<128x64xf32, #tpu.memory_space<vmem>>
        tpu.wait_dma2 semaphore(%arg22 : memref<!tpu.dma_semaphore, #tpu.memory_space<semaphore_mem>>) src(%dma_wait3A_533 : memref<128x64xf32, #tpu.memory_space<vmem>>) dst(%dma_wait3A_529 : memref<128x64xf32, #tpu.memory_space<hbm>>)
      } else {
      }
      %lt3A_288 = arith.constant 200 : i32
      %lt3A_289 = arith.cmpi slt, %add3A_282, %lt3A_288 : i32
      %convert_element_type3A_290 = arith.extui %lt3A_289 : i1 to i32
      %cond3A_291 = arith.constant 0 : i32
      %cond3A_292 = arith.cmpi ne, %convert_element_type3A_290, %cond3A_291 : i32
      scf.if %cond3A_292 {
        %dma_start3A_516 = arith.constant 7 : i32
        %dma_start3A_517 = arith.constant 0 : i32
        %dma_start3A_518 = arith.constant 0 : i32
        %dma_start3A_519 = tpu.memref_slice %arg6[%dma_start3A_516, %dma_start3A_517, %dma_start3A_518] : memref<8x128x64xf32, #tpu.memory_space<vmem>> -> memref<1x128x64xf32, #tpu.memory_space<vmem>>
        %dma_start3A_520 = tpu.memref_squeeze %dma_start3A_519 : memref<1x128x64xf32, #tpu.memory_space<vmem>> -> memref<128x64xf32, #tpu.memory_space<vmem>>
        %dma_start3A_521 = arith.constant 0 : i32
        %dma_start3A_522 = tpu.memref_slice %arg5[%add3A_282, %dma_start3A_521] : memref<200x128xi32, #tpu.memory_space<vmem>> -> memref<1x128xi32, #tpu.memory_space<vmem>>
        %dma_start3A_523 = tpu.memref_squeeze %dma_start3A_522 : memref<1x128xi32, #tpu.memory_space<vmem>> -> memref<128xi32, #tpu.memory_space<vmem>>
        %dma_start3A_524 = arith.constant 0 : i32
        %dma_start3A_525 = arith.constant 0 : i32
        %dma_start3A_526 = tpu.memref_slice %arg3[%dma_start3A_524, %dma_start3A_525] : memref<1003520x64xf32, #tpu.memory_space<hbm>> -> memref<1003520x64xf32, #tpu.memory_space<hbm>>
        tpu.enqueue_indirect_dma source(%dma_start3A_526 : memref<1003520x64xf32, #tpu.memory_space<hbm>>) target(%dma_start3A_520 : memref<128x64xf32, #tpu.memory_space<vmem>>) offsets(%dma_start3A_523 : memref<128xi32, #tpu.memory_space<vmem>>) semaphore(%arg14 : memref<!tpu.dma_semaphore, #tpu.memory_space<semaphore_mem>>)
      } else {
      }
      %mul3A_293 = arith.constant 8 : i32
      %mul3A_294 = arith.muli %scan3A_124, %mul3A_293 : i32
      %add3A_295 = arith.constant 4 : i32
      %add3A_296 = arith.addi %mul3A_294, %add3A_295 : i32
      %dma_wait3A_297 = arith.constant 4 : i32
      %dma_wait3A_298 = arith.constant 0 : i32
      %dma_wait3A_299 = arith.constant 0 : i32
      %dma_wait3A_300 = tpu.memref_slice %arg6[%dma_wait3A_297, %dma_wait3A_298, %dma_wait3A_299] : memref<8x128x64xf32, #tpu.memory_space<vmem>> -> memref<1x128x64xf32, #tpu.memory_space<vmem>>
      %dma_wait3A_301 = tpu.memref_squeeze %dma_wait3A_300 : memref<1x128x64xf32, #tpu.memory_space<vmem>> -> memref<128x64xf32, #tpu.memory_space<vmem>>
      %dma_wait3A_302 = arith.constant 0 : i32
      %dma_wait3A_303 = tpu.memref_slice %arg5[%add3A_296, %dma_wait3A_302] : memref<200x128xi32, #tpu.memory_space<vmem>> -> memref<1x128xi32, #tpu.memory_space<vmem>>
      %dma_wait3A_304 = tpu.memref_squeeze %dma_wait3A_303 : memref<1x128xi32, #tpu.memory_space<vmem>> -> memref<128xi32, #tpu.memory_space<vmem>>
      %dma_wait3A_305 = arith.constant 0 : i32
      %dma_wait3A_306 = arith.constant 0 : i32
      %dma_wait3A_307 = tpu.memref_slice %arg3[%dma_wait3A_305, %dma_wait3A_306] : memref<1003520x64xf32, #tpu.memory_space<hbm>> -> memref<1003520x64xf32, #tpu.memory_space<hbm>>
      tpu.wait_indirect_dma semaphore(%arg11 : memref<!tpu.dma_semaphore, #tpu.memory_space<semaphore_mem>>) src(%dma_wait3A_307 : memref<1003520x64xf32, #tpu.memory_space<hbm>>) dst(%dma_wait3A_301 : memref<128x64xf32, #tpu.memory_space<vmem>>)
      %add3A_308 = arith.addi %mul3A_2, %add3A_296 : i32
      %mul3A_309 = arith.constant 128 : i32
      %mul3A_310 = arith.muli %add3A_308, %mul3A_309 : i32
      %dma_start3A_311 = arith.constant 4 : i32
      %dma_start3A_312 = arith.constant 0 : i32
      %dma_start3A_313 = arith.constant 0 : i32
      %dma_start3A_314 = tpu.memref_slice %arg6[%dma_start3A_311, %dma_start3A_312, %dma_start3A_313] : memref<8x128x64xf32, #tpu.memory_space<vmem>> -> memref<1x128x64xf32, #tpu.memory_space<vmem>>
      %dma_start3A_315 = tpu.memref_squeeze %dma_start3A_314 : memref<1x128x64xf32, #tpu.memory_space<vmem>> -> memref<128x64xf32, #tpu.memory_space<vmem>>
      %dma_start3A_316 = arith.constant 0 : i32
      %dma_start3A_317 = tpu.memref_slice %arg4[%mul3A_310, %dma_start3A_316] : memref<819200x64xf32, #tpu.memory_space<hbm>> -> memref<128x64xf32, #tpu.memory_space<hbm>>
      %dma_start3A_318 = arith.constant 0 : i32
      %dma_start3A_319 = tpu.memref_slice %arg4[%mul3A_310, %dma_start3A_318] : memref<819200x64xf32, #tpu.memory_space<hbm>> -> memref<128x64xf32, #tpu.memory_space<hbm>>
      %dma_start3A_320 = arith.constant 0 : i32
      %dma_start3A_321 = arith.constant 0 : i32
      %dma_start3A_322 = tpu.memref_slice %arg6[%dma_start3A_311, %dma_start3A_320, %dma_start3A_321] : memref<8x128x64xf32, #tpu.memory_space<vmem>> -> memref<1x128x64xf32, #tpu.memory_space<vmem>>
      %dma_start3A_323 = tpu.memref_squeeze %dma_start3A_322 : memref<1x128x64xf32, #tpu.memory_space<vmem>> -> memref<128x64xf32, #tpu.memory_space<vmem>>
      tpu.enqueue_dma source(%dma_start3A_323 : memref<128x64xf32, #tpu.memory_space<vmem>>) target(%dma_start3A_319 : memref<128x64xf32, #tpu.memory_space<hbm>>) target_semaphore(%arg19 : memref<!tpu.dma_semaphore, #tpu.memory_space<semaphore_mem>>)
      %add3A_324 = arith.constant 4 : i32
      %add3A_325 = arith.addi %add3A_296, %add3A_324 : i32
      %sub3A = arith.constant 4 : i32
      %sub3A_326 = arith.subi %add3A_296, %sub3A : i32
      %add3A_327 = arith.addi %mul3A_2, %sub3A_326 : i32
      %mul3A_328 = arith.constant 128 : i32
      %mul3A_329 = arith.muli %add3A_327, %mul3A_328 : i32
      %dma_wait3A_330 = arith.constant 0 : i32
      %dma_wait3A_331 = arith.constant 0 : i32
      %dma_wait3A_332 = arith.constant 0 : i32
      %dma_wait3A_333 = tpu.memref_slice %arg6[%dma_wait3A_330, %dma_wait3A_331, %dma_wait3A_332] : memref<8x128x64xf32, #tpu.memory_space<vmem>> -> memref<1x128x64xf32, #tpu.memory_space<vmem>>
      %dma_wait3A_334 = tpu.memref_squeeze %dma_wait3A_333 : memref<1x128x64xf32, #tpu.memory_space<vmem>> -> memref<128x64xf32, #tpu.memory_space<vmem>>
      %dma_wait3A_335 = arith.constant 0 : i32
      %dma_wait3A_336 = tpu.memref_slice %arg4[%mul3A_329, %dma_wait3A_335] : memref<819200x64xf32, #tpu.memory_space<hbm>> -> memref<128x64xf32, #tpu.memory_space<hbm>>
      %dma_wait3A_337 = arith.constant 0 : i32
      %dma_wait3A_338 = tpu.memref_slice %arg4[%mul3A_329, %dma_wait3A_337] : memref<819200x64xf32, #tpu.memory_space<hbm>> -> memref<128x64xf32, #tpu.memory_space<hbm>>
      %dma_wait3A_339 = arith.constant 0 : i32
      %dma_wait3A_340 = arith.constant 0 : i32
      %dma_wait3A_341 = tpu.memref_slice %arg6[%dma_wait3A_330, %dma_wait3A_339, %dma_wait3A_340] : memref<8x128x64xf32, #tpu.memory_space<vmem>> -> memref<1x128x64xf32, #tpu.memory_space<vmem>>
      %dma_wait3A_342 = tpu.memref_squeeze %dma_wait3A_341 : memref<1x128x64xf32, #tpu.memory_space<vmem>> -> memref<128x64xf32, #tpu.memory_space<vmem>>
      tpu.wait_dma2 semaphore(%arg15 : memref<!tpu.dma_semaphore, #tpu.memory_space<semaphore_mem>>) src(%dma_wait3A_342 : memref<128x64xf32, #tpu.memory_space<vmem>>) dst(%dma_wait3A_338 : memref<128x64xf32, #tpu.memory_space<hbm>>)
      %lt3A_343 = arith.constant 200 : i32
      %lt3A_344 = arith.cmpi slt, %add3A_325, %lt3A_343 : i32
      %convert_element_type3A_345 = arith.extui %lt3A_344 : i1 to i32
      %cond3A_346 = arith.constant 0 : i32
      %cond3A_347 = arith.cmpi ne, %convert_element_type3A_345, %cond3A_346 : i32
      scf.if %cond3A_347 {
        %dma_start3A_516 = arith.constant 0 : i32
        %dma_start3A_517 = arith.constant 0 : i32
        %dma_start3A_518 = arith.constant 0 : i32
        %dma_start3A_519 = tpu.memref_slice %arg6[%dma_start3A_516, %dma_start3A_517, %dma_start3A_518] : memref<8x128x64xf32, #tpu.memory_space<vmem>> -> memref<1x128x64xf32, #tpu.memory_space<vmem>>
        %dma_start3A_520 = tpu.memref_squeeze %dma_start3A_519 : memref<1x128x64xf32, #tpu.memory_space<vmem>> -> memref<128x64xf32, #tpu.memory_space<vmem>>
        %dma_start3A_521 = arith.constant 0 : i32
        %dma_start3A_522 = tpu.memref_slice %arg5[%add3A_325, %dma_start3A_521] : memref<200x128xi32, #tpu.memory_space<vmem>> -> memref<1x128xi32, #tpu.memory_space<vmem>>
        %dma_start3A_523 = tpu.memref_squeeze %dma_start3A_522 : memref<1x128xi32, #tpu.memory_space<vmem>> -> memref<128xi32, #tpu.memory_space<vmem>>
        %dma_start3A_524 = arith.constant 0 : i32
        %dma_start3A_525 = arith.constant 0 : i32
        %dma_start3A_526 = tpu.memref_slice %arg3[%dma_start3A_524, %dma_start3A_525] : memref<1003520x64xf32, #tpu.memory_space<hbm>> -> memref<1003520x64xf32, #tpu.memory_space<hbm>>
        tpu.enqueue_indirect_dma source(%dma_start3A_526 : memref<1003520x64xf32, #tpu.memory_space<hbm>>) target(%dma_start3A_520 : memref<128x64xf32, #tpu.memory_space<vmem>>) offsets(%dma_start3A_523 : memref<128xi32, #tpu.memory_space<vmem>>) semaphore(%arg7 : memref<!tpu.dma_semaphore, #tpu.memory_space<semaphore_mem>>)
      } else {
      }
      %mul3A_348 = arith.constant 8 : i32
      %mul3A_349 = arith.muli %scan3A_124, %mul3A_348 : i32
      %add3A_350 = arith.constant 5 : i32
      %add3A_351 = arith.addi %mul3A_349, %add3A_350 : i32
      %dma_wait3A_352 = arith.constant 5 : i32
      %dma_wait3A_353 = arith.constant 0 : i32
      %dma_wait3A_354 = arith.constant 0 : i32
      %dma_wait3A_355 = tpu.memref_slice %arg6[%dma_wait3A_352, %dma_wait3A_353, %dma_wait3A_354] : memref<8x128x64xf32, #tpu.memory_space<vmem>> -> memref<1x128x64xf32, #tpu.memory_space<vmem>>
      %dma_wait3A_356 = tpu.memref_squeeze %dma_wait3A_355 : memref<1x128x64xf32, #tpu.memory_space<vmem>> -> memref<128x64xf32, #tpu.memory_space<vmem>>
      %dma_wait3A_357 = arith.constant 0 : i32
      %dma_wait3A_358 = tpu.memref_slice %arg5[%add3A_351, %dma_wait3A_357] : memref<200x128xi32, #tpu.memory_space<vmem>> -> memref<1x128xi32, #tpu.memory_space<vmem>>
      %dma_wait3A_359 = tpu.memref_squeeze %dma_wait3A_358 : memref<1x128xi32, #tpu.memory_space<vmem>> -> memref<128xi32, #tpu.memory_space<vmem>>
      %dma_wait3A_360 = arith.constant 0 : i32
      %dma_wait3A_361 = arith.constant 0 : i32
      %dma_wait3A_362 = tpu.memref_slice %arg3[%dma_wait3A_360, %dma_wait3A_361] : memref<1003520x64xf32, #tpu.memory_space<hbm>> -> memref<1003520x64xf32, #tpu.memory_space<hbm>>
      tpu.wait_indirect_dma semaphore(%arg12 : memref<!tpu.dma_semaphore, #tpu.memory_space<semaphore_mem>>) src(%dma_wait3A_362 : memref<1003520x64xf32, #tpu.memory_space<hbm>>) dst(%dma_wait3A_356 : memref<128x64xf32, #tpu.memory_space<vmem>>)
      %add3A_363 = arith.addi %mul3A_2, %add3A_351 : i32
      %mul3A_364 = arith.constant 128 : i32
      %mul3A_365 = arith.muli %add3A_363, %mul3A_364 : i32
      %dma_start3A_366 = arith.constant 5 : i32
      %dma_start3A_367 = arith.constant 0 : i32
      %dma_start3A_368 = arith.constant 0 : i32
      %dma_start3A_369 = tpu.memref_slice %arg6[%dma_start3A_366, %dma_start3A_367, %dma_start3A_368] : memref<8x128x64xf32, #tpu.memory_space<vmem>> -> memref<1x128x64xf32, #tpu.memory_space<vmem>>
      %dma_start3A_370 = tpu.memref_squeeze %dma_start3A_369 : memref<1x128x64xf32, #tpu.memory_space<vmem>> -> memref<128x64xf32, #tpu.memory_space<vmem>>
      %dma_start3A_371 = arith.constant 0 : i32
      %dma_start3A_372 = tpu.memref_slice %arg4[%mul3A_365, %dma_start3A_371] : memref<819200x64xf32, #tpu.memory_space<hbm>> -> memref<128x64xf32, #tpu.memory_space<hbm>>
      %dma_start3A_373 = arith.constant 0 : i32
      %dma_start3A_374 = tpu.memref_slice %arg4[%mul3A_365, %dma_start3A_373] : memref<819200x64xf32, #tpu.memory_space<hbm>> -> memref<128x64xf32, #tpu.memory_space<hbm>>
      %dma_start3A_375 = arith.constant 0 : i32
      %dma_start3A_376 = arith.constant 0 : i32
      %dma_start3A_377 = tpu.memref_slice %arg6[%dma_start3A_366, %dma_start3A_375, %dma_start3A_376] : memref<8x128x64xf32, #tpu.memory_space<vmem>> -> memref<1x128x64xf32, #tpu.memory_space<vmem>>
      %dma_start3A_378 = tpu.memref_squeeze %dma_start3A_377 : memref<1x128x64xf32, #tpu.memory_space<vmem>> -> memref<128x64xf32, #tpu.memory_space<vmem>>
      tpu.enqueue_dma source(%dma_start3A_378 : memref<128x64xf32, #tpu.memory_space<vmem>>) target(%dma_start3A_374 : memref<128x64xf32, #tpu.memory_space<hbm>>) target_semaphore(%arg20 : memref<!tpu.dma_semaphore, #tpu.memory_space<semaphore_mem>>)
      %add3A_379 = arith.constant 4 : i32
      %add3A_380 = arith.addi %add3A_351, %add3A_379 : i32
      %sub3A_381 = arith.constant 4 : i32
      %sub3A_382 = arith.subi %add3A_351, %sub3A_381 : i32
      %add3A_383 = arith.addi %mul3A_2, %sub3A_382 : i32
      %mul3A_384 = arith.constant 128 : i32
      %mul3A_385 = arith.muli %add3A_383, %mul3A_384 : i32
      %dma_wait3A_386 = arith.constant 1 : i32
      %dma_wait3A_387 = arith.constant 0 : i32
      %dma_wait3A_388 = arith.constant 0 : i32
      %dma_wait3A_389 = tpu.memref_slice %arg6[%dma_wait3A_386, %dma_wait3A_387, %dma_wait3A_388] : memref<8x128x64xf32, #tpu.memory_space<vmem>> -> memref<1x128x64xf32, #tpu.memory_space<vmem>>
      %dma_wait3A_390 = tpu.memref_squeeze %dma_wait3A_389 : memref<1x128x64xf32, #tpu.memory_space<vmem>> -> memref<128x64xf32, #tpu.memory_space<vmem>>
      %dma_wait3A_391 = arith.constant 0 : i32
      %dma_wait3A_392 = tpu.memref_slice %arg4[%mul3A_385, %dma_wait3A_391] : memref<819200x64xf32, #tpu.memory_space<hbm>> -> memref<128x64xf32, #tpu.memory_space<hbm>>
      %dma_wait3A_393 = arith.constant 0 : i32
      %dma_wait3A_394 = tpu.memref_slice %arg4[%mul3A_385, %dma_wait3A_393] : memref<819200x64xf32, #tpu.memory_space<hbm>> -> memref<128x64xf32, #tpu.memory_space<hbm>>
      %dma_wait3A_395 = arith.constant 0 : i32
      %dma_wait3A_396 = arith.constant 0 : i32
      %dma_wait3A_397 = tpu.memref_slice %arg6[%dma_wait3A_386, %dma_wait3A_395, %dma_wait3A_396] : memref<8x128x64xf32, #tpu.memory_space<vmem>> -> memref<1x128x64xf32, #tpu.memory_space<vmem>>
      %dma_wait3A_398 = tpu.memref_squeeze %dma_wait3A_397 : memref<1x128x64xf32, #tpu.memory_space<vmem>> -> memref<128x64xf32, #tpu.memory_space<vmem>>
      tpu.wait_dma2 semaphore(%arg16 : memref<!tpu.dma_semaphore, #tpu.memory_space<semaphore_mem>>) src(%dma_wait3A_398 : memref<128x64xf32, #tpu.memory_space<vmem>>) dst(%dma_wait3A_394 : memref<128x64xf32, #tpu.memory_space<hbm>>)
      %lt3A_399 = arith.constant 200 : i32
      %lt3A_400 = arith.cmpi slt, %add3A_380, %lt3A_399 : i32
      %convert_element_type3A_401 = arith.extui %lt3A_400 : i1 to i32
      %cond3A_402 = arith.constant 0 : i32
      %cond3A_403 = arith.cmpi ne, %convert_element_type3A_401, %cond3A_402 : i32
      scf.if %cond3A_403 {
        %dma_start3A_516 = arith.constant 1 : i32
        %dma_start3A_517 = arith.constant 0 : i32
        %dma_start3A_518 = arith.constant 0 : i32
        %dma_start3A_519 = tpu.memref_slice %arg6[%dma_start3A_516, %dma_start3A_517, %dma_start3A_518] : memref<8x128x64xf32, #tpu.memory_space<vmem>> -> memref<1x128x64xf32, #tpu.memory_space<vmem>>
        %dma_start3A_520 = tpu.memref_squeeze %dma_start3A_519 : memref<1x128x64xf32, #tpu.memory_space<vmem>> -> memref<128x64xf32, #tpu.memory_space<vmem>>
        %dma_start3A_521 = arith.constant 0 : i32
        %dma_start3A_522 = tpu.memref_slice %arg5[%add3A_380, %dma_start3A_521] : memref<200x128xi32, #tpu.memory_space<vmem>> -> memref<1x128xi32, #tpu.memory_space<vmem>>
        %dma_start3A_523 = tpu.memref_squeeze %dma_start3A_522 : memref<1x128xi32, #tpu.memory_space<vmem>> -> memref<128xi32, #tpu.memory_space<vmem>>
        %dma_start3A_524 = arith.constant 0 : i32
        %dma_start3A_525 = arith.constant 0 : i32
        %dma_start3A_526 = tpu.memref_slice %arg3[%dma_start3A_524, %dma_start3A_525] : memref<1003520x64xf32, #tpu.memory_space<hbm>> -> memref<1003520x64xf32, #tpu.memory_space<hbm>>
        tpu.enqueue_indirect_dma source(%dma_start3A_526 : memref<1003520x64xf32, #tpu.memory_space<hbm>>) target(%dma_start3A_520 : memref<128x64xf32, #tpu.memory_space<vmem>>) offsets(%dma_start3A_523 : memref<128xi32, #tpu.memory_space<vmem>>) semaphore(%arg8 : memref<!tpu.dma_semaphore, #tpu.memory_space<semaphore_mem>>)
      } else {
      }
      %mul3A_404 = arith.constant 8 : i32
      %mul3A_405 = arith.muli %scan3A_124, %mul3A_404 : i32
      %add3A_406 = arith.constant 6 : i32
      %add3A_407 = arith.addi %mul3A_405, %add3A_406 : i32
      %dma_wait3A_408 = arith.constant 6 : i32
      %dma_wait3A_409 = arith.constant 0 : i32
      %dma_wait3A_410 = arith.constant 0 : i32
      %dma_wait3A_411 = tpu.memref_slice %arg6[%dma_wait3A_408, %dma_wait3A_409, %dma_wait3A_410] : memref<8x128x64xf32, #tpu.memory_space<vmem>> -> memref<1x128x64xf32, #tpu.memory_space<vmem>>
      %dma_wait3A_412 = tpu.memref_squeeze %dma_wait3A_411 : memref<1x128x64xf32, #tpu.memory_space<vmem>> -> memref<128x64xf32, #tpu.memory_space<vmem>>
      %dma_wait3A_413 = arith.constant 0 : i32
      %dma_wait3A_414 = tpu.memref_slice %arg5[%add3A_407, %dma_wait3A_413] : memref<200x128xi32, #tpu.memory_space<vmem>> -> memref<1x128xi32, #tpu.memory_space<vmem>>
      %dma_wait3A_415 = tpu.memref_squeeze %dma_wait3A_414 : memref<1x128xi32, #tpu.memory_space<vmem>> -> memref<128xi32, #tpu.memory_space<vmem>>
      %dma_wait3A_416 = arith.constant 0 : i32
      %dma_wait3A_417 = arith.constant 0 : i32
      %dma_wait3A_418 = tpu.memref_slice %arg3[%dma_wait3A_416, %dma_wait3A_417] : memref<1003520x64xf32, #tpu.memory_space<hbm>> -> memref<1003520x64xf32, #tpu.memory_space<hbm>>
      tpu.wait_indirect_dma semaphore(%arg13 : memref<!tpu.dma_semaphore, #tpu.memory_space<semaphore_mem>>) src(%dma_wait3A_418 : memref<1003520x64xf32, #tpu.memory_space<hbm>>) dst(%dma_wait3A_412 : memref<128x64xf32, #tpu.memory_space<vmem>>)
      %add3A_419 = arith.addi %mul3A_2, %add3A_407 : i32
      %mul3A_420 = arith.constant 128 : i32
      %mul3A_421 = arith.muli %add3A_419, %mul3A_420 : i32
      %dma_start3A_422 = arith.constant 6 : i32
      %dma_start3A_423 = arith.constant 0 : i32
      %dma_start3A_424 = arith.constant 0 : i32
      %dma_start3A_425 = tpu.memref_slice %arg6[%dma_start3A_422, %dma_start3A_423, %dma_start3A_424] : memref<8x128x64xf32, #tpu.memory_space<vmem>> -> memref<1x128x64xf32, #tpu.memory_space<vmem>>
      %dma_start3A_426 = tpu.memref_squeeze %dma_start3A_425 : memref<1x128x64xf32, #tpu.memory_space<vmem>> -> memref<128x64xf32, #tpu.memory_space<vmem>>
      %dma_start3A_427 = arith.constant 0 : i32
      %dma_start3A_428 = tpu.memref_slice %arg4[%mul3A_421, %dma_start3A_427] : memref<819200x64xf32, #tpu.memory_space<hbm>> -> memref<128x64xf32, #tpu.memory_space<hbm>>
      %dma_start3A_429 = arith.constant 0 : i32
      %dma_start3A_430 = tpu.memref_slice %arg4[%mul3A_421, %dma_start3A_429] : memref<819200x64xf32, #tpu.memory_space<hbm>> -> memref<128x64xf32, #tpu.memory_space<hbm>>
      %dma_start3A_431 = arith.constant 0 : i32
      %dma_start3A_432 = arith.constant 0 : i32
      %dma_start3A_433 = tpu.memref_slice %arg6[%dma_start3A_422, %dma_start3A_431, %dma_start3A_432] : memref<8x128x64xf32, #tpu.memory_space<vmem>> -> memref<1x128x64xf32, #tpu.memory_space<vmem>>
      %dma_start3A_434 = tpu.memref_squeeze %dma_start3A_433 : memref<1x128x64xf32, #tpu.memory_space<vmem>> -> memref<128x64xf32, #tpu.memory_space<vmem>>
      tpu.enqueue_dma source(%dma_start3A_434 : memref<128x64xf32, #tpu.memory_space<vmem>>) target(%dma_start3A_430 : memref<128x64xf32, #tpu.memory_space<hbm>>) target_semaphore(%arg21 : memref<!tpu.dma_semaphore, #tpu.memory_space<semaphore_mem>>)
      %add3A_435 = arith.constant 4 : i32
      %add3A_436 = arith.addi %add3A_407, %add3A_435 : i32
      %sub3A_437 = arith.constant 4 : i32
      %sub3A_438 = arith.subi %add3A_407, %sub3A_437 : i32
      %add3A_439 = arith.addi %mul3A_2, %sub3A_438 : i32
      %mul3A_440 = arith.constant 128 : i32
      %mul3A_441 = arith.muli %add3A_439, %mul3A_440 : i32
      %dma_wait3A_442 = arith.constant 2 : i32
      %dma_wait3A_443 = arith.constant 0 : i32
      %dma_wait3A_444 = arith.constant 0 : i32
      %dma_wait3A_445 = tpu.memref_slice %arg6[%dma_wait3A_442, %dma_wait3A_443, %dma_wait3A_444] : memref<8x128x64xf32, #tpu.memory_space<vmem>> -> memref<1x128x64xf32, #tpu.memory_space<vmem>>
      %dma_wait3A_446 = tpu.memref_squeeze %dma_wait3A_445 : memref<1x128x64xf32, #tpu.memory_space<vmem>> -> memref<128x64xf32, #tpu.memory_space<vmem>>
      %dma_wait3A_447 = arith.constant 0 : i32
      %dma_wait3A_448 = tpu.memref_slice %arg4[%mul3A_441, %dma_wait3A_447] : memref<819200x64xf32, #tpu.memory_space<hbm>> -> memref<128x64xf32, #tpu.memory_space<hbm>>
      %dma_wait3A_449 = arith.constant 0 : i32
      %dma_wait3A_450 = tpu.memref_slice %arg4[%mul3A_441, %dma_wait3A_449] : memref<819200x64xf32, #tpu.memory_space<hbm>> -> memref<128x64xf32, #tpu.memory_space<hbm>>
      %dma_wait3A_451 = arith.constant 0 : i32
      %dma_wait3A_452 = arith.constant 0 : i32
      %dma_wait3A_453 = tpu.memref_slice %arg6[%dma_wait3A_442, %dma_wait3A_451, %dma_wait3A_452] : memref<8x128x64xf32, #tpu.memory_space<vmem>> -> memref<1x128x64xf32, #tpu.memory_space<vmem>>
      %dma_wait3A_454 = tpu.memref_squeeze %dma_wait3A_453 : memref<1x128x64xf32, #tpu.memory_space<vmem>> -> memref<128x64xf32, #tpu.memory_space<vmem>>
      tpu.wait_dma2 semaphore(%arg17 : memref<!tpu.dma_semaphore, #tpu.memory_space<semaphore_mem>>) src(%dma_wait3A_454 : memref<128x64xf32, #tpu.memory_space<vmem>>) dst(%dma_wait3A_450 : memref<128x64xf32, #tpu.memory_space<hbm>>)
      %lt3A_455 = arith.constant 200 : i32
      %lt3A_456 = arith.cmpi slt, %add3A_436, %lt3A_455 : i32
      %convert_element_type3A_457 = arith.extui %lt3A_456 : i1 to i32
      %cond3A_458 = arith.constant 0 : i32
      %cond3A_459 = arith.cmpi ne, %convert_element_type3A_457, %cond3A_458 : i32
      scf.if %cond3A_459 {
        %dma_start3A_516 = arith.constant 2 : i32
        %dma_start3A_517 = arith.constant 0 : i32
        %dma_start3A_518 = arith.constant 0 : i32
        %dma_start3A_519 = tpu.memref_slice %arg6[%dma_start3A_516, %dma_start3A_517, %dma_start3A_518] : memref<8x128x64xf32, #tpu.memory_space<vmem>> -> memref<1x128x64xf32, #tpu.memory_space<vmem>>
        %dma_start3A_520 = tpu.memref_squeeze %dma_start3A_519 : memref<1x128x64xf32, #tpu.memory_space<vmem>> -> memref<128x64xf32, #tpu.memory_space<vmem>>
        %dma_start3A_521 = arith.constant 0 : i32
        %dma_start3A_522 = tpu.memref_slice %arg5[%add3A_436, %dma_start3A_521] : memref<200x128xi32, #tpu.memory_space<vmem>> -> memref<1x128xi32, #tpu.memory_space<vmem>>
        %dma_start3A_523 = tpu.memref_squeeze %dma_start3A_522 : memref<1x128xi32, #tpu.memory_space<vmem>> -> memref<128xi32, #tpu.memory_space<vmem>>
        %dma_start3A_524 = arith.constant 0 : i32
        %dma_start3A_525 = arith.constant 0 : i32
        %dma_start3A_526 = tpu.memref_slice %arg3[%dma_start3A_524, %dma_start3A_525] : memref<1003520x64xf32, #tpu.memory_space<hbm>> -> memref<1003520x64xf32, #tpu.memory_space<hbm>>
        tpu.enqueue_indirect_dma source(%dma_start3A_526 : memref<1003520x64xf32, #tpu.memory_space<hbm>>) target(%dma_start3A_520 : memref<128x64xf32, #tpu.memory_space<vmem>>) offsets(%dma_start3A_523 : memref<128xi32, #tpu.memory_space<vmem>>) semaphore(%arg9 : memref<!tpu.dma_semaphore, #tpu.memory_space<semaphore_mem>>)
      } else {
      }
      %mul3A_460 = arith.constant 8 : i32
      %mul3A_461 = arith.muli %scan3A_124, %mul3A_460 : i32
      %add3A_462 = arith.constant 7 : i32
      %add3A_463 = arith.addi %mul3A_461, %add3A_462 : i32
      %dma_wait3A_464 = arith.constant 7 : i32
      %dma_wait3A_465 = arith.constant 0 : i32
      %dma_wait3A_466 = arith.constant 0 : i32
      %dma_wait3A_467 = tpu.memref_slice %arg6[%dma_wait3A_464, %dma_wait3A_465, %dma_wait3A_466] : memref<8x128x64xf32, #tpu.memory_space<vmem>> -> memref<1x128x64xf32, #tpu.memory_space<vmem>>
      %dma_wait3A_468 = tpu.memref_squeeze %dma_wait3A_467 : memref<1x128x64xf32, #tpu.memory_space<vmem>> -> memref<128x64xf32, #tpu.memory_space<vmem>>
      %dma_wait3A_469 = arith.constant 0 : i32
      %dma_wait3A_470 = tpu.memref_slice %arg5[%add3A_463, %dma_wait3A_469] : memref<200x128xi32, #tpu.memory_space<vmem>> -> memref<1x128xi32, #tpu.memory_space<vmem>>
      %dma_wait3A_471 = tpu.memref_squeeze %dma_wait3A_470 : memref<1x128xi32, #tpu.memory_space<vmem>> -> memref<128xi32, #tpu.memory_space<vmem>>
      %dma_wait3A_472 = arith.constant 0 : i32
      %dma_wait3A_473 = arith.constant 0 : i32
      %dma_wait3A_474 = tpu.memref_slice %arg3[%dma_wait3A_472, %dma_wait3A_473] : memref<1003520x64xf32, #tpu.memory_space<hbm>> -> memref<1003520x64xf32, #tpu.memory_space<hbm>>
      tpu.wait_indirect_dma semaphore(%arg14 : memref<!tpu.dma_semaphore, #tpu.memory_space<semaphore_mem>>) src(%dma_wait3A_474 : memref<1003520x64xf32, #tpu.memory_space<hbm>>) dst(%dma_wait3A_468 : memref<128x64xf32, #tpu.memory_space<vmem>>)
      %add3A_475 = arith.addi %mul3A_2, %add3A_463 : i32
      %mul3A_476 = arith.constant 128 : i32
      %mul3A_477 = arith.muli %add3A_475, %mul3A_476 : i32
      %dma_start3A_478 = arith.constant 7 : i32
      %dma_start3A_479 = arith.constant 0 : i32
      %dma_start3A_480 = arith.constant 0 : i32
      %dma_start3A_481 = tpu.memref_slice %arg6[%dma_start3A_478, %dma_start3A_479, %dma_start3A_480] : memref<8x128x64xf32, #tpu.memory_space<vmem>> -> memref<1x128x64xf32, #tpu.memory_space<vmem>>
      %dma_start3A_482 = tpu.memref_squeeze %dma_start3A_481 : memref<1x128x64xf32, #tpu.memory_space<vmem>> -> memref<128x64xf32, #tpu.memory_space<vmem>>
      %dma_start3A_483 = arith.constant 0 : i32
      %dma_start3A_484 = tpu.memref_slice %arg4[%mul3A_477, %dma_start3A_483] : memref<819200x64xf32, #tpu.memory_space<hbm>> -> memref<128x64xf32, #tpu.memory_space<hbm>>
      %dma_start3A_485 = arith.constant 0 : i32
      %dma_start3A_486 = tpu.memref_slice %arg4[%mul3A_477, %dma_start3A_485] : memref<819200x64xf32, #tpu.memory_space<hbm>> -> memref<128x64xf32, #tpu.memory_space<hbm>>
      %dma_start3A_487 = arith.constant 0 : i32
      %dma_start3A_488 = arith.constant 0 : i32
      %dma_start3A_489 = tpu.memref_slice %arg6[%dma_start3A_478, %dma_start3A_487, %dma_start3A_488] : memref<8x128x64xf32, #tpu.memory_space<vmem>> -> memref<1x128x64xf32, #tpu.memory_space<vmem>>
      %dma_start3A_490 = tpu.memref_squeeze %dma_start3A_489 : memref<1x128x64xf32, #tpu.memory_space<vmem>> -> memref<128x64xf32, #tpu.memory_space<vmem>>
      tpu.enqueue_dma source(%dma_start3A_490 : memref<128x64xf32, #tpu.memory_space<vmem>>) target(%dma_start3A_486 : memref<128x64xf32, #tpu.memory_space<hbm>>) target_semaphore(%arg22 : memref<!tpu.dma_semaphore, #tpu.memory_space<semaphore_mem>>)
      %add3A_491 = arith.constant 4 : i32
      %add3A_492 = arith.addi %add3A_463, %add3A_491 : i32
      %sub3A_493 = arith.constant 4 : i32
      %sub3A_494 = arith.subi %add3A_463, %sub3A_493 : i32
      %add3A_495 = arith.addi %mul3A_2, %sub3A_494 : i32
      %mul3A_496 = arith.constant 128 : i32
      %mul3A_497 = arith.muli %add3A_495, %mul3A_496 : i32
      %dma_wait3A_498 = arith.constant 3 : i32
      %dma_wait3A_499 = arith.constant 0 : i32
      %dma_wait3A_500 = arith.constant 0 : i32
      %dma_wait3A_501 = tpu.memref_slice %arg6[%dma_wait3A_498, %dma_wait3A_499, %dma_wait3A_500] : memref<8x128x64xf32, #tpu.memory_space<vmem>> -> memref<1x128x64xf32, #tpu.memory_space<vmem>>
      %dma_wait3A_502 = tpu.memref_squeeze %dma_wait3A_501 : memref<1x128x64xf32, #tpu.memory_space<vmem>> -> memref<128x64xf32, #tpu.memory_space<vmem>>
      %dma_wait3A_503 = arith.constant 0 : i32
      %dma_wait3A_504 = tpu.memref_slice %arg4[%mul3A_497, %dma_wait3A_503] : memref<819200x64xf32, #tpu.memory_space<hbm>> -> memref<128x64xf32, #tpu.memory_space<hbm>>
      %dma_wait3A_505 = arith.constant 0 : i32
      %dma_wait3A_506 = tpu.memref_slice %arg4[%mul3A_497, %dma_wait3A_505] : memref<819200x64xf32, #tpu.memory_space<hbm>> -> memref<128x64xf32, #tpu.memory_space<hbm>>
      %dma_wait3A_507 = arith.constant 0 : i32
      %dma_wait3A_508 = arith.constant 0 : i32
      %dma_wait3A_509 = tpu.memref_slice %arg6[%dma_wait3A_498, %dma_wait3A_507, %dma_wait3A_508] : memref<8x128x64xf32, #tpu.memory_space<vmem>> -> memref<1x128x64xf32, #tpu.memory_space<vmem>>
      %dma_wait3A_510 = tpu.memref_squeeze %dma_wait3A_509 : memref<1x128x64xf32, #tpu.memory_space<vmem>> -> memref<128x64xf32, #tpu.memory_space<vmem>>
      tpu.wait_dma2 semaphore(%arg18 : memref<!tpu.dma_semaphore, #tpu.memory_space<semaphore_mem>>) src(%dma_wait3A_510 : memref<128x64xf32, #tpu.memory_space<vmem>>) dst(%dma_wait3A_506 : memref<128x64xf32, #tpu.memory_space<hbm>>)
      %lt3A_511 = arith.constant 200 : i32
      %lt3A_512 = arith.cmpi slt, %add3A_492, %lt3A_511 : i32
      %convert_element_type3A_513 = arith.extui %lt3A_512 : i1 to i32
      %cond3A_514 = arith.constant 0 : i32
      %cond3A_515 = arith.cmpi ne, %convert_element_type3A_513, %cond3A_514 : i32
      scf.if %cond3A_515 {
        %dma_start3A_516 = arith.constant 3 : i32
        %dma_start3A_517 = arith.constant 0 : i32
        %dma_start3A_518 = arith.constant 0 : i32
        %dma_start3A_519 = tpu.memref_slice %arg6[%dma_start3A_516, %dma_start3A_517, %dma_start3A_518] : memref<8x128x64xf32, #tpu.memory_space<vmem>> -> memref<1x128x64xf32, #tpu.memory_space<vmem>>
        %dma_start3A_520 = tpu.memref_squeeze %dma_start3A_519 : memref<1x128x64xf32, #tpu.memory_space<vmem>> -> memref<128x64xf32, #tpu.memory_space<vmem>>
        %dma_start3A_521 = arith.constant 0 : i32
        %dma_start3A_522 = tpu.memref_slice %arg5[%add3A_492, %dma_start3A_521] : memref<200x128xi32, #tpu.memory_space<vmem>> -> memref<1x128xi32, #tpu.memory_space<vmem>>
        %dma_start3A_523 = tpu.memref_squeeze %dma_start3A_522 : memref<1x128xi32, #tpu.memory_space<vmem>> -> memref<128xi32, #tpu.memory_space<vmem>>
        %dma_start3A_524 = arith.constant 0 : i32
        %dma_start3A_525 = arith.constant 0 : i32
        %dma_start3A_526 = tpu.memref_slice %arg3[%dma_start3A_524, %dma_start3A_525] : memref<1003520x64xf32, #tpu.memory_space<hbm>> -> memref<1003520x64xf32, #tpu.memory_space<hbm>>
        tpu.enqueue_indirect_dma source(%dma_start3A_526 : memref<1003520x64xf32, #tpu.memory_space<hbm>>) target(%dma_start3A_520 : memref<128x64xf32, #tpu.memory_space<vmem>>) offsets(%dma_start3A_523 : memref<128xi32, #tpu.memory_space<vmem>>) semaphore(%arg10 : memref<!tpu.dma_semaphore, #tpu.memory_space<semaphore_mem>>)
      } else {
      }
    }
    %scan3A_56 = arith.constant 25 : i32
    %add3A_57 = arith.constant 196 : i32
    %add3A_58 = arith.addi %mul3A_2, %add3A_57 : i32
    %mul3A_59 = arith.constant 128 : i32
    %mul3A_60 = arith.muli %add3A_58, %mul3A_59 : i32
    %dma_wait3A = arith.constant 4 : i32
    %dma_wait3A_61 = arith.constant 0 : i32
    %dma_wait3A_62 = arith.constant 0 : i32
    %dma_wait3A_63 = tpu.memref_slice %arg6[%dma_wait3A, %dma_wait3A_61, %dma_wait3A_62] : memref<8x128x64xf32, #tpu.memory_space<vmem>> -> memref<1x128x64xf32, #tpu.memory_space<vmem>>
    %dma_wait3A_64 = tpu.memref_squeeze %dma_wait3A_63 : memref<1x128x64xf32, #tpu.memory_space<vmem>> -> memref<128x64xf32, #tpu.memory_space<vmem>>
    %dma_wait3A_65 = arith.constant 0 : i32
    %dma_wait3A_66 = tpu.memref_slice %arg4[%mul3A_60, %dma_wait3A_65] : memref<819200x64xf32, #tpu.memory_space<hbm>> -> memref<128x64xf32, #tpu.memory_space<hbm>>
    %dma_wait3A_67 = arith.constant 0 : i32
    %dma_wait3A_68 = tpu.memref_slice %arg4[%mul3A_60, %dma_wait3A_67] : memref<819200x64xf32, #tpu.memory_space<hbm>> -> memref<128x64xf32, #tpu.memory_space<hbm>>
    %dma_wait3A_69 = arith.constant 0 : i32
    %dma_wait3A_70 = arith.constant 0 : i32
    %dma_wait3A_71 = tpu.memref_slice %arg6[%dma_wait3A, %dma_wait3A_69, %dma_wait3A_70] : memref<8x128x64xf32, #tpu.memory_space<vmem>> -> memref<1x128x64xf32, #tpu.memory_space<vmem>>
    %dma_wait3A_72 = tpu.memref_squeeze %dma_wait3A_71 : memref<1x128x64xf32, #tpu.memory_space<vmem>> -> memref<128x64xf32, #tpu.memory_space<vmem>>
    tpu.wait_dma2 semaphore(%arg19 : memref<!tpu.dma_semaphore, #tpu.memory_space<semaphore_mem>>) src(%dma_wait3A_72 : memref<128x64xf32, #tpu.memory_space<vmem>>) dst(%dma_wait3A_68 : memref<128x64xf32, #tpu.memory_space<hbm>>)
    %add3A_73 = arith.constant 197 : i32
    %add3A_74 = arith.addi %mul3A_2, %add3A_73 : i32
    %mul3A_75 = arith.constant 128 : i32
    %mul3A_76 = arith.muli %add3A_74, %mul3A_75 : i32
    %dma_wait3A_77 = arith.constant 5 : i32
    %dma_wait3A_78 = arith.constant 0 : i32
    %dma_wait3A_79 = arith.constant 0 : i32
    %dma_wait3A_80 = tpu.memref_slice %arg6[%dma_wait3A_77, %dma_wait3A_78, %dma_wait3A_79] : memref<8x128x64xf32, #tpu.memory_space<vmem>> -> memref<1x128x64xf32, #tpu.memory_space<vmem>>
    %dma_wait3A_81 = tpu.memref_squeeze %dma_wait3A_80 : memref<1x128x64xf32, #tpu.memory_space<vmem>> -> memref<128x64xf32, #tpu.memory_space<vmem>>
    %dma_wait3A_82 = arith.constant 0 : i32
    %dma_wait3A_83 = tpu.memref_slice %arg4[%mul3A_76, %dma_wait3A_82] : memref<819200x64xf32, #tpu.memory_space<hbm>> -> memref<128x64xf32, #tpu.memory_space<hbm>>
    %dma_wait3A_84 = arith.constant 0 : i32
    %dma_wait3A_85 = tpu.memref_slice %arg4[%mul3A_76, %dma_wait3A_84] : memref<819200x64xf32, #tpu.memory_space<hbm>> -> memref<128x64xf32, #tpu.memory_space<hbm>>
    %dma_wait3A_86 = arith.constant 0 : i32
    %dma_wait3A_87 = arith.constant 0 : i32
    %dma_wait3A_88 = tpu.memref_slice %arg6[%dma_wait3A_77, %dma_wait3A_86, %dma_wait3A_87] : memref<8x128x64xf32, #tpu.memory_space<vmem>> -> memref<1x128x64xf32, #tpu.memory_space<vmem>>
    %dma_wait3A_89 = tpu.memref_squeeze %dma_wait3A_88 : memref<1x128x64xf32, #tpu.memory_space<vmem>> -> memref<128x64xf32, #tpu.memory_space<vmem>>
    tpu.wait_dma2 semaphore(%arg20 : memref<!tpu.dma_semaphore, #tpu.memory_space<semaphore_mem>>) src(%dma_wait3A_89 : memref<128x64xf32, #tpu.memory_space<vmem>>) dst(%dma_wait3A_85 : memref<128x64xf32, #tpu.memory_space<hbm>>)
    %add3A_90 = arith.constant 198 : i32
    %add3A_91 = arith.addi %mul3A_2, %add3A_90 : i32
    %mul3A_92 = arith.constant 128 : i32
    %mul3A_93 = arith.muli %add3A_91, %mul3A_92 : i32
    %dma_wait3A_94 = arith.constant 6 : i32
    %dma_wait3A_95 = arith.constant 0 : i32
    %dma_wait3A_96 = arith.constant 0 : i32
    %dma_wait3A_97 = tpu.memref_slice %arg6[%dma_wait3A_94, %dma_wait3A_95, %dma_wait3A_96] : memref<8x128x64xf32, #tpu.memory_space<vmem>> -> memref<1x128x64xf32, #tpu.memory_space<vmem>>
    %dma_wait3A_98 = tpu.memref_squeeze %dma_wait3A_97 : memref<1x128x64xf32, #tpu.memory_space<vmem>> -> memref<128x64xf32, #tpu.memory_space<vmem>>
    %dma_wait3A_99 = arith.constant 0 : i32
    %dma_wait3A_100 = tpu.memref_slice %arg4[%mul3A_93, %dma_wait3A_99] : memref<819200x64xf32, #tpu.memory_space<hbm>> -> memref<128x64xf32, #tpu.memory_space<hbm>>
    %dma_wait3A_101 = arith.constant 0 : i32
    %dma_wait3A_102 = tpu.memref_slice %arg4[%mul3A_93, %dma_wait3A_101] : memref<819200x64xf32, #tpu.memory_space<hbm>> -> memref<128x64xf32, #tpu.memory_space<hbm>>
    %dma_wait3A_103 = arith.constant 0 : i32
    %dma_wait3A_104 = arith.constant 0 : i32
    %dma_wait3A_105 = tpu.memref_slice %arg6[%dma_wait3A_94, %dma_wait3A_103, %dma_wait3A_104] : memref<8x128x64xf32, #tpu.memory_space<vmem>> -> memref<1x128x64xf32, #tpu.memory_space<vmem>>
    %dma_wait3A_106 = tpu.memref_squeeze %dma_wait3A_105 : memref<1x128x64xf32, #tpu.memory_space<vmem>> -> memref<128x64xf32, #tpu.memory_space<vmem>>
    tpu.wait_dma2 semaphore(%arg21 : memref<!tpu.dma_semaphore, #tpu.memory_space<semaphore_mem>>) src(%dma_wait3A_106 : memref<128x64xf32, #tpu.memory_space<vmem>>) dst(%dma_wait3A_102 : memref<128x64xf32, #tpu.memory_space<hbm>>)
    %add3A_107 = arith.constant 199 : i32
    %add3A_108 = arith.addi %mul3A_2, %add3A_107 : i32
    %mul3A_109 = arith.constant 128 : i32
    %mul3A_110 = arith.muli %add3A_108, %mul3A_109 : i32
    %dma_wait3A_111 = arith.constant 7 : i32
    %dma_wait3A_112 = arith.constant 0 : i32
    %dma_wait3A_113 = arith.constant 0 : i32
    %dma_wait3A_114 = tpu.memref_slice %arg6[%dma_wait3A_111, %dma_wait3A_112, %dma_wait3A_113] : memref<8x128x64xf32, #tpu.memory_space<vmem>> -> memref<1x128x64xf32, #tpu.memory_space<vmem>>
    %dma_wait3A_115 = tpu.memref_squeeze %dma_wait3A_114 : memref<1x128x64xf32, #tpu.memory_space<vmem>> -> memref<128x64xf32, #tpu.memory_space<vmem>>
    %dma_wait3A_116 = arith.constant 0 : i32
    %dma_wait3A_117 = tpu.memref_slice %arg4[%mul3A_110, %dma_wait3A_116] : memref<819200x64xf32, #tpu.memory_space<hbm>> -> memref<128x64xf32, #tpu.memory_space<hbm>>
    %dma_wait3A_118 = arith.constant 0 : i32
    %dma_wait3A_119 = tpu.memref_slice %arg4[%mul3A_110, %dma_wait3A_118] : memref<819200x64xf32, #tpu.memory_space<hbm>> -> memref<128x64xf32, #tpu.memory_space<hbm>>
    %dma_wait3A_120 = arith.constant 0 : i32
    %dma_wait3A_121 = arith.constant 0 : i32
    %dma_wait3A_122 = tpu.memref_slice %arg6[%dma_wait3A_111, %dma_wait3A_120, %dma_wait3A_121] : memref<8x128x64xf32, #tpu.memory_space<vmem>> -> memref<1x128x64xf32, #tpu.memory_space<vmem>>
    %dma_wait3A_123 = tpu.memref_squeeze %dma_wait3A_122 : memref<1x128x64xf32, #tpu.memory_space<vmem>> -> memref<128x64xf32, #tpu.memory_space<vmem>>
    tpu.wait_dma2 semaphore(%arg22 : memref<!tpu.dma_semaphore, #tpu.memory_space<semaphore_mem>>) src(%dma_wait3A_123 : memref<128x64xf32, #tpu.memory_space<vmem>>) dst(%dma_wait3A_119 : memref<128x64xf32, #tpu.memory_space<hbm>>)
    return
  }
}

module attributes {stable_mosaic.version = 14 : i64} {
  func.func @body(%arg0: i32, %arg1: memref<64x4096xf32, #tpu.memory_space<vmem>>, %arg2: memref<2048x128xf32, #tpu.memory_space<vmem>>) attributes {dimension_semantics = [#tpu.dimension_semantics<arbitrary>], iteration_bounds = array<i64: 245>, scalar_prefetch = 0 : i64, scratch_operands = 0 : i64, tpu.core_type = #tpu.core_type<tc>, window_params = [{transform_indices = @transform_0, window_bounds = array<i64: 64, 4096>}, {transform_indices = @transform_1, window_bounds = array<i64: 2048, 128>}]} {
    %get3A = arith.constant 0 : index
    %get3A_0 = arith.constant 0 : index
    %get3A_1 = vector.load %arg1[%get3A, %get3A_0] : memref<64x4096xf32, #tpu.memory_space<vmem>>, vector<64x2048xf32>
    %transpose3A = tpu.transpose %get3A_1, [1, 0] : vector<64x2048xf32> -> vector<2048x64xf32>
    %mul3A = arith.constant 8.000000e+00 : f32
    %mul3A_2 = vector.broadcast %mul3A : f32 to vector<2048x64xf32>
    %mul3A_3 = arith.mulf %transpose3A, %mul3A_2 : vector<2048x64xf32>
    %swap3A = arith.constant 0 : index
    %swap3A_4 = arith.constant 0 : index
    %swap3A_5 = vector.load %arg2[%swap3A, %swap3A_4] : memref<2048x128xf32, #tpu.memory_space<vmem>>, vector<2048x64xf32>
    tpu.vector_store %arg2[%swap3A, %swap3A_4], %mul3A_3 {strides = array<i32>} : memref<2048x128xf32, #tpu.memory_space<vmem>>, vector<2048x64xf32>,
    %get3A_6 = arith.constant 0 : index
    %get3A_7 = arith.constant 2048 : index
    %get3A_8 = vector.load %arg1[%get3A_6, %get3A_7] : memref<64x4096xf32, #tpu.memory_space<vmem>>, vector<64x2048xf32>
    %transpose3A_9 = tpu.transpose %get3A_8, [1, 0] : vector<64x2048xf32> -> vector<2048x64xf32>
    %mul3A_10 = arith.constant 8.000000e+00 : f32
    %mul3A_11 = vector.broadcast %mul3A_10 : f32 to vector<2048x64xf32>
    %mul3A_12 = arith.mulf %transpose3A_9, %mul3A_11 : vector<2048x64xf32>
    %swap3A_13 = arith.constant 0 : index
    %swap3A_14 = arith.constant 64 : index
    %swap3A_15 = vector.load %arg2[%swap3A_13, %swap3A_14] : memref<2048x128xf32, #tpu.memory_space<vmem>>, vector<2048x64xf32>
    tpu.vector_store %arg2[%swap3A_13, %swap3A_14], %mul3A_12 {strides = array<i32>} : memref<2048x128xf32, #tpu.memory_space<vmem>>, vector<2048x64xf32>,
    return
  }
  func.func @transform_0(%arg0: i32) -> (i32, i32) {
    %c0_i32 = arith.constant 0 : i32
    %c0_i32_0 = arith.constant 0 : i32
    return %c0_i32, %arg0 : i32, i32
  }
  func.func @transform_1(%arg0: i32) -> (i32, i32) {
    %c0_i32 = arith.constant 0 : i32
    %c0_i32_0 = arith.constant 0 : i32
    return %arg0, %c0_i32 : i32, i32
  }
}

</mosaic_0001>

<sc_bundles>
// kernel: kernel.4.cloned.1.call-start
scs
__scs_entry_jumppad:
0x0: {  	(pc) =	sbr.rel $0x88, $3  }
0x1: {  	(tag) =	ssettag $0x0;
	lr =	simm.s32 $0x1  }
0x2: {  	[smem:$0x3F9F] =	sst lr;
	_ =	strace $0xD0000000  }
0x3: {  	_ = 	snop  }
0x4: {  	_ = 	snop  }
0x5: {  	_ = 	snop  }
0x6: {  	_ = 	snop  }
0x7: {  	_ = 	snop  }
__scs_overlays_trampoline_lowered:
0x8: {  	[smem:$0x3FAE] =	sst s0  }
0x9: {  	[smem:$0x3FAF] =	sst s1  }
0xa: {  	[smem:$0x3FB0] =	sst s2  }
0xb: {  	[smem:$0x3FB1] =	sst s3  }
0xc: {  	[smem:$0x3FB2] =	sst s4  }
0xd: {  	[smem:$0x3FB3] =	sst s5  }
0xe: {  	[smem:$0x3FB4] =	sst s6  }
0xf: {  	[smem:$0x3FB5] =	sst s7  }
0x10: {  	[smem:$0x3FB6] =	sst s8  }
0x11: {  	[smem:$0x3FB7] =	sst s9;
	s0 =	simm.s32 @!p0 $0x0  }
0x12: {  	s1 =	sld [smem:$0x3F9D];
	s0 =	simm.s32 @p0 $0x1  }
0x13: {  	[smem:$0x3FB8] =	sst s0;
	s0 =	simm.s32 @!p1 $0x0  }
0x14: {  	s2 =	sld [smem:$0x3F9C];
	s0 =	simm.s32 @p1 $0x1  }
0x15: {  	[smem:$0x3FB9] =	sst s0;
	s0 =	simm.s32 @!p2 $0x0  }
0x16: {  	s3 =	sld [smem:$0x3FDB];
	s0 =	simm.s32 @p2 $0x1  }
0x17: {  	s4 =	simm.s32 $0x1BF5;
	[smem:$0x3FBB] =	sst s0  }
0x18: {  	s0 =	sld [smem:$0x3F9E];
	_ =	swait.ge [sflag:s4], $0x0  }
0x19: {  	s7 =	sld [smem:$0x3F9F]  }
0x1a: {  	s8 =	sadd.s32 $0xFFFFE003, lr  }
0x1b: {  	s9 =	sadd.s32 $0xFFFFFEF7, lr;
	s5 =	simm.s32 $0xFFFFFFFF;
	p2 =	slt.u32 s8, $0xFFFFF086  }
0x1c: {  	p1 =	slt.u32 s9, $0xF7A;
	s5 =	simm.s32 @!p2 $0x0  }
0x1d: {  	s5 =	simm.s32 @p1 $0x1;
	p0 =	seq.s32 s7, s2  }
0x1e: {  	s7 =	smul.u32 @!p0 $0xF7A, s2;
	p2 =	seq.s32 @!p0 s5, $0x0  }
0x1f: {  	s9 =	smul.u32 $0xF7A, s1;
	s8 =	simm.s32 @!p0 $0x1BF5;
	p2 =	por !p2, p0  }
0x20: {  	[sflag:s8] =	ssyncset.s32 @!p0 $0xFFFFF086;
	s6 =	sadd.s32 @!p0 s3, s7;
	s7 =	simm.s32 @!p0 $0x108  }
0x21: {  	s3 =	sadd.s32 s3, s9;
	s6 =	sadd.s32 @!p0 $0x88, s6;
	s7 =	simm.s32 @p2 $0x1082  }
0x22: {  	[simem:s7], [sflag:s8] =	dma.local @!p0 [hbm:s6], $0xF7A  }
0x23: {  	s9 =	sor.u32 $0xD0000000, s2;
	s6 =	simm.s32 $0x108;
	_ =	swait.ge @!p0 [sflag:s8], $0x0  }
0x24: {  	s3 =	sadd.s32 $0x88, s3;
	s6 =	simm.s32 @!p1 $0x1082;
	[sflag:s4] =	ssyncset.s32 $0xFFFFF086  }
0x25: {  	[simem:s6], [sflag:s4] =	dma.local [hbm:s3], $0xF7A  }
0x26: {  	[smem:$0x3F9F] =	sst s1;
	(tag) =	ssettag s2;
	_ =	strace s9  }
0x27: {  	s1 =	sld [smem:$0x3FAF]  }
0x28: {  	s2 =	sld [smem:$0x3FB0]  }
0x29: {  	s4 =	sld [smem:$0x3FB2]  }
0x2a: {  	p0 =	seq.s32 s5, $0x0;
	s5 =	sld [smem:$0x3FB3]  }
0x2b: {  	s6 =	sld [smem:$0x3FB4]  }
0x2c: {  	s7 =	sld [smem:$0x3FB5]  }
0x2d: {  	s3 =	simm.s32 $0x108;
	s8 =	sld [smem:$0x3FB6]  }
0x2e: {  	s3 =	simm.s32 @!p0 $0x1082;
	s9 =	sld [smem:$0x3FB7]  }
0x2f: {  	lr =	sadd.s32 s0, s3;
	s0 =	sld [smem:$0x3FAE]  }
0x30: {  	s3 =	sld [smem:$0x3FB1]  }
0x31: {  	[smem:$0x3FBA] =	sst s10  }
0x32: {  	s10 =	sld [smem:$0x3FB8];
	_ =	sdelay $0x3  }
0x33: {  	p0 =	seq.s32 s10, $0x1;
	s10 =	sld [smem:$0x3FBA];
	_ =	sdelay $0x3  }
0x34: {  	[smem:$0x3FBA] =	sst s10  }
0x35: {  	s10 =	sld [smem:$0x3FB9];
	_ =	sdelay $0x3  }
0x36: {  	p1 =	seq.s32 s10, $0x1;
	s10 =	sld [smem:$0x3FBA];
	_ =	sdelay $0x3  }
0x37: {  	[smem:$0x3FBA] =	sst s10  }
0x38: {  	s10 =	sld [smem:$0x3FBB]  }
0x39: {  	_ = 	snop;
	(pc) =	sbr.ind lr, $3  }
0x3a: {  	_ = 	snop  }
0x3b: {  	_ = 	snop  }
0x3c: {  	p2 =	seq.s32 s10, $0x1;
	s10 =	sld [smem:$0x3FBA]  }
0x3d: {  	_ =	shalt  }
0x3e: {  	_ =	shalt  }
0x3f: {  	_ =	shalt  }
0x40: {  	_ =	shalt  }
0x41: {  	_ =	shalt  }
0x42: {  	_ =	shalt  }
0x43: {  	_ =	shalt  }
0x44: {  	_ =	shalt  }
0x45: {  	_ =	shalt  }
0x46: {  	_ =	shalt  }
0x47: {  	_ =	shalt  }
0x48: {  	_ =	shalt  }
0x49: {  	_ =	shalt  }
0x4a: {  	_ =	shalt  }
0x4b: {  	_ =	shalt  }
0x4c: {  	_ =	shalt  }
0x4d: {  	_ =	shalt  }
0x4e: {  	_ =	shalt  }
0x4f: {  	_ =	shalt  }
0x50: {  	_ =	shalt  }
0x51: {  	_ =	shalt  }
0x52: {  	_ =	shalt  }
0x53: {  	_ =	shalt  }
0x54: {  	_ =	shalt  }
0x55: {  	_ =	shalt  }
0x56: {  	_ =	shalt  }
0x57: {  	_ =	shalt  }
0x58: {  	_ =	shalt  }
0x59: {  	_ =	shalt  }
0x5a: {  	_ =	shalt  }
0x5b: {  	_ =	shalt  }
0x5c: {  	_ =	shalt  }
0x5d: {  	_ =	shalt  }
0x5e: {  	_ =	shalt  }
0x5f: {  	_ =	shalt  }
0x60: {  	_ =	shalt  }
0x61: {  	_ =	shalt  }
0x62: {  	_ =	shalt  }
0x63: {  	_ =	shalt  }
0x64: {  	_ =	shalt  }
0x65: {  	_ =	shalt  }
0x66: {  	_ =	shalt  }
0x67: {  	_ =	shalt  }
0x68: {  	_ =	shalt  }
0x69: {  	_ =	shalt  }
0x6a: {  	_ =	shalt  }
0x6b: {  	_ =	shalt  }
0x6c: {  	_ =	shalt  }
0x6d: {  	_ =	shalt  }
0x6e: {  	_ =	shalt  }
0x6f: {  	_ =	shalt  }
0x70: {  	_ =	shalt  }
0x71: {  	_ =	shalt  }
0x72: {  	_ =	shalt  }
0x73: {  	_ =	shalt  }
0x74: {  	_ =	shalt  }
0x75: {  	_ =	shalt  }
0x76: {  	_ =	shalt  }
0x77: {  	_ =	shalt  }
0x78: {  	_ =	shalt  }
0x79: {  	_ =	shalt  }
0x7a: {  	_ =	shalt  }
0x7b: {  	_ =	shalt  }
0x7c: {  	_ =	shalt  }
0x7d: {  	_ =	shalt  }
0x7e: {  	_ =	shalt  }
0x7f: {  	_ =	shalt  }
0x80: {  	_ =	shalt  }
0x81: {  	_ =	shalt  }
0x82: {  	_ =	shalt  }
0x83: {  	_ =	shalt  }
0x84: {  	_ =	shalt  }
0x85: {  	_ =	shalt  }
0x86: {  	_ =	shalt  }
0x87: {  	_ =	shalt  }
.Lfunc_end0:
.L_simem_size_0:
called_computation.1_lowered:
.L_overlay_start_0:
0x88: {  	s2 =	sld [smem:$0x3FD9]  }
0x89: {  	s3 =	sld [smem:$0x3FFE];
	_ =	sdelay $0x1  }
0x8a: {  	s1 =	srdreg.scid  }
0x8b: {  	s0 =	sand.u32 $0x1, s1  }
0x8c: {  	s17 =	sshll.u32 s0, $0xA;
	s2 =	sadd.s32 s3, s2  }
0x8d: {  	s2 =	sadd.s32 s2, s17  }
0x8e: {  	[smem:$0x3FC6] =	sst s2  }
0x8f: {  	_ = 	snop  }
0x90: {  	s2 =	sld [smem:$0x3FD0];
	(tm) =	ssettm $0x1  }
0x91: {  	s18 =	sld [smem:$0x3FFB];
	_ =	sdelay $0x3  }
0x92: {  	_ =	strace s18  }
0x93: {  	s3 =	sld [smem:$0x3FFC];
	_ =	sdelay $0x3  }
0x94: {  	_ =	strace s3  }
0x95: {  	s3 =	sld [smem:$0x3FFD];
	_ =	sdelay $0x3  }
0x96: {  	_ =	strace s3  }
0x97: {  	_ =	strace $0x8FFFFFFF  }
0x98: {  	s19 =	sld [smem:$0x3FDB];
	_ =	sdelay $0x1  }
0x99: {  	s4 =	simm.s32 $_scs_section_size  }
0x9a: {  	s5 =	simm.s32 $_size__tile_overlayer_lowered;
	s6 =	simm.s32 $_tile_overlayer_lowered  }
0x9b: {  	s22 =	simm.s32 $0x1BFF;
	s21 =	sshll.u32 s6, $0x1;
	s3 =	sadd.s32 s4, s19  }
0x9c: {  	s7 =	simm.s32 $0x0;
	s20 =	sshll.u32 s5, $0x1;
	s5 =	sadd.s32 s21, s3  }
0x9d: {  	[timem:s7], [sflag:s22] =	dma.local [hbm:s5], s20  }
0x9e: {  	_ =	swait.ge [sflag:s22], s20  }
0x9f: {  	s4 =	ssub.s32 $0x0, s20;
	[sflag:s22] =	ssyncset.done $0x0  }
0xa0: {  	[sflag:s22] =	ssyncadd.s32 s4;
	_ =	sdelay $0x1  }
0xa1: {  	s23 =	simm.s32 $0x1B8B  }
0xa2: {  	_ =	swait.ge [sflag:s23], $0x1  }
0xa3: {  	[sflag:s23] =	ssyncset.done $0x0  }
0xa4: {  	s25 =	simm.s32 $0x1B8E;
	s24 =	sld [smem:$0x3FFE];
	[sflag:s23] =	ssyncadd.s32 $0xFFFFFFFF  }
0xa5: {  	s26 =	simm.s32 $execute0_lowered;
	[smem:$0x3FD2] =	sst s25  }
0xa6: {  	s5 =	sshll.u32 s26, $0x1;
	_ =	strace $0x80000046;
	[dreg:$0x1] =	wrdreg $0xFFFFFFFF  }
0xa7: {  	s28 =	simm.s32 $_size_execute0_lowered;
	s3 =	sadd.s32 s3, s5;
	[dreg:$0x0] =	wrdreg $0x0  }
0xa8: {  	s5 =	sshll.u32 s28, $0x1;
	[dreg:$0x2] =	wrdreg s3  }
0xa9: {  	[dreg:$0x3] =	wrdreg s5  }
0xaa: {  	[dreg:$0x4] =	wrdreg $0xC0  }
0xab: {  	_ =	task [dreg:s7], $0x5FFFF  }
0xac: {  	[dreg:$0x1] =	wrdreg $0xFFFFFFFF  }
0xad: {  	[dreg:$0x0] =	wrdreg $0x60  }
0xae: {  	[dreg:$0x2] =	wrdreg s24  }
0xaf: {  	[dreg:$0x3] =	wrdreg s2  }
0xb0: {  	[dreg:$0x4] =	wrdreg $0x9  }
0xb1: {  	_ =	task.clear_ibuf [dreg:s7], $0x5FFFF;
	_ =	strace $0x90000046  }
0xb2: {  	s29 =	simm.s32 $0x9;
	_ =	strace $0x80000048  }
0xb3: {  	_ =	swait.ge [sflag:s29], $0x1  }
0xb4: {  	[sflag:s29] =	ssyncadd.s32 $0xFFFFFFFF  }
0xb5: {  	_ =	strace $0x90000048  }
0xb6: {  	_ =	sfence  }
0xb7: {  	s30 =	sld [smem:$0x0];
	_ =	sdelay $0x2  }
0xb8: {  	s31 =	sshll.u32 s1, $0xD;
	s1 =	sshrl.u32 s1, $0x2  }
0xb9: {  	s3 =	sand.u32 $0x4000, s31;
	s1 =	sadd.s32 s1, s30  }
0xba: {  	s0 =	sor.u32 s3, s0;
	s1 =	sshll.u32 s1, $0x11  }
0xbb: {  	s0 =	sor.u32 s1, s0  }
0xbc: {  	s0 =	sadd.s32 $0x8F2B, s0  }
0xbd: {  	[sflag:s0] =	ssyncadd.remote.s32 $0x1  }
0xbe: {  	_ =	sfence.sel $0xFFFF  }
0xbf: {  	[dreg:$0x0] =	wrdreg $0xFFFFFFFF;
	(pc) =	sbr.abs _section_cstart, $3  }
0xc0: {  	[dreg:$0x1] =	wrdreg $0xFFFFFFFF  }
0xc1: {  	_ =	task.clear_ibuf [dreg:s7], $0x2FFFF;
	_ =	strace $0x9FFFFFFF  }
0xc2: {  	(tm) =	ssettm $0x7FFFFFFF  }
0xc3: {  	_ =	shalt  }
tec
execute0_lowered:
.L_overlay_start_1:
0x0: {  	(tag) =	ssettag $0x1  }
0x1: {  	s0 =	srdreg.scid  }
0x2: {  	s9 =	stileid.u32;
	s1 =	rddreg [dreg:$0x0];
	s3 =	simm.s32 $0x0  }
0x3: {  	s13 =	simm.s32 $0x80;
	s19 =	simm.s32 $0xC400;
	s20 =	simm.s32 $0x1  }
0x4: {  	s21 =	simm.s32 $0xE400;
	s28 =	simm.s32 $0x14400;
	s29 =	simm.s32 $0x5  }
0x5: {  	s30 =	simm.s32 $0x9;
	s31 =	simm.s32 $0x6;
	s16 =	simm.s32 $0x8  }
0x6: {  	s18 =	simm.s32 $0xC;
	s0 =	sand.u32 $0x1, s0;
	s6 =	smul.u32 $0x190, s9  }
0x7: {  	s2 =	sshll.u32 s9, $0x1;
	[smem:$0x7FF] =	sst s3;
	s24 =	smul.u32 $0x64000, s9  }
0x8: {  	s4 =	sadd.s32 $0x19800, s1;
	s5 =	ssub.s32 $0x2, s0;
	s8 =	smul.u32 $0xC8, s0  }
0x9: {  	s2 =	sor.u32 s0, s2;
	s0 =	smul.u32 $0x32000, s0;
	s7 =	sshrl.u32 s5, $0x1  }
0xa: {  	_ =	strace $0x80000047;
	s2 =	smul.u32 $0xC80, s2;
	s22 =	ssub.s32 s5, s7  }
0xb: {  	s23 =	sadd.s32 s8, s6;
	s11 =	sadd.s32 s0, s24;
	s24 =	simm.s32 $0x3  }
0xc: {  	s0 =	simm.s32 $0x7;
	s7 =	simm.s32 $0x0;
	s2 =	sadd.s32 s2, s1  }
0xd: {  	s1 =	smax.u32 s22, $0x1;
	s25 =	sshll.u32 s23, $0xA;
	s22 =	simm.s32 $0x2  }
.Ltmp0:
0xe: {  	s23 =	simm.s32 $0x10400;
	s2 =	sadd.s32 $0x800, s2;
	(pc) =	sbr.rel .LBB2_1-.Ltmp0, $4  }
0xf: {  	[dreg:$0x4] =	wrdreg s1;
	s26 =	sor.u32 $0x1800, s25;
	s9 =	smov.u32 s25  }
0x10: {  	s10 =	sor.u32 $0x1000, s25;
	s1 =	simm.s32 $0xA;
	[dreg:$0x3] =	wrdreg s2  }
0x11: {  	s2 =	sor.u32 $0x800, s25;
	[dreg:$0x6] =	wrdreg s26;
	s25 =	simm.s32 $0x12400  }
0x12: {  	s26 =	simm.s32 $0x4;
	[dreg:$0x5] =	wrdreg s2;
	s2 =	simm.s32 $0xB  }
.LBB2_6:
0x13: {  	s5 =	simm.s32 $0xD  }
0x14: {  	_ =	swait.ge [sflag:s5], $0x2000  }
0x15: {  	[sflag:s5] =	ssyncset.done $0x0  }
0x16: {  	s14 =	simm.s32 $0xE;
	[sflag:s5] =	ssyncadd.s32 $0xFFFFE000  }
0x17: {  	_ =	swait.ge [sflag:s14], $0x2000  }
0x18: {  	[sflag:s14] =	ssyncset.done $0x0  }
0x19: {  	s15 =	simm.s32 $0xF;
	[sflag:s14] =	ssyncadd.s32 $0xFFFFE000  }
0x1a: {  	_ =	swait.ge [sflag:s15], $0x2000  }
0x1b: {  	[sflag:s15] =	ssyncset.done $0x0  }
0x1c: {  	s6 =	simm.s32 $0x10;
	[sflag:s15] =	ssyncadd.s32 $0xFFFFE000  }
0x1d: {  	_ =	swait.ge [sflag:s6], $0x2000  }
0x1e: {  	s7 =	rddreg [dreg:$0x7]  }
0x1f: {  	s17 =	rddreg [dreg:$0x4];
	s7 =	sadd.s32 $0x1, s7  }
0x20: {  	p0 =	sne.s32 s7, s17  }
.Ltmp1:
0x21: {  	_ = 	snop;
	(pc) =	sbr.rel @!p0 .LBB2_7-.Ltmp1, $3  }
0x22: {  	_ =	sdelay $0x1  }
0x23: {  	[sflag:s6] =	ssyncset.done $0x0  }
0x24: {  	[sflag:s6] =	ssyncadd.s32 $0xFFFFE000  }
.LBB2_1:
0x25: {  	[dreg:$0x7] =	wrdreg s7  }
0x26: {  	s5 =	rddreg [dreg:$0x3];
	s17 =	simm.s32 $0x11  }
0x27: {  	[tilespmem:s3], [sflag:$0x11] =	stream.linear.gather [hbm4b:s5+s3], $0x6400, $0x38;
	[tilespmem:$0x16400] =	vst v63  }
0x28: {  	_ =	swait.ge [sflag:s17], $0x6400  }
0x29: {  	[sflag:s17] =	ssyncset.done $0x0  }
0x2a: {  	[sflag:s17] =	ssyncadd.s32 $0xFFFF9C00  }
0x2b: {  	v0 =	vld [tilespmem:s13+$0x70]  }
0x2c: {  	v1 =	vld [tilespmem:s13+$0xFFFFFF90]  }
0x2d: {  	v2 =	vld [tilespmem:s13+$0xFFFFFFA0]  }
0x2e: {  	v3 =	vld [tilespmem:s13+$0xFFFFFFB0]  }
0x2f: {  	v4 =	vld [tilespmem:s13+$0xFFFFFFC0]  }
0x30: {  	v5 =	vld [tilespmem:s13+$0xFFFFFFD0]  }
0x31: {  	v7 =	vld [tilespmem:s13+$0xFFFFFFE0]  }
0x32: {  	v10 =	vld [tilespmem:s13+$0xFFFFFFF0]  }
0x33: {  	v12 =	vld [tilespmem:s13+$0x0]  }
0x34: {  	v26 =	vld [tilespmem:s13+$0xFFFFFF80];
	v6 =	vshll.u32 v0, $0x1  }
0x35: {  	v14 =	vld [tilespmem:s13+$0x20];
	v8 =	vand.u32 $0xFFFFF000, v0;
	v0 =	vshrl.u32 v0, $0xB;
	v9 =	vshll.u32 v1, $0x1  }
0x36: {  	v18 =	vld [tilespmem:s13+$0x30];
	v11 =	vshll.u32 v3, $0x1;
	v13 =	vshll.u32 v5, $0x1;
	v16 =	vand.u32 $0xFFFFF000, v1  }
0x37: {  	v20 =	vld [tilespmem:s13+$0x40];
	v19 =	vshrl.u32 v1, $0xB;
	v21 =	vand.u32 $0xFFFFF000, v2;
	v24 =	vshrl.u32 v2, $0xB  }
0x38: {  	v23 =	vld [tilespmem:s13+$0x50];
	v27 =	vand.u32 $0xFFFFF000, v3;
	v30 =	vshrl.u32 v3, $0xB;
	v29 =	vand.u32 $0xFFFFF000, v4  }
0x39: {  	v25 =	vld [tilespmem:s13+$0x60];
	v32 =	vshrl.u32 v4, $0xB;
	v34 =	vand.u32 $0xFFFFF000, v5;
	v36 =	vshll.u32 v26, $0x1  }
0x3a: {  	v63 =	vshrl.u32 v5, $0xB;
	v5 =	vand.u32 $0xFFFFF000, v7;
	v38 =	vshrl.u32 v7, $0xB  }
0x3b: {  	v39 =	vshrl.u32 v10, $0xB;
	v40 =	vand.u32 $0xFFFFF000, v12;
	v41 =	vshrl.u32 v12, $0xB  }
0x3c: {  	v44 =	vand.u32 $0xFFFFF000, v14;
	v45 =	vshrl.u32 v14, $0xB;
	v46 =	vand.u32 $0xFFFFF000, v18  }
0x3d: {  	v47 =	vand.u32 $0xFFFFF000, v20;
	v48 =	vshrl.u32 v20, $0xB;
	v49 =	vshrl.u32 v23, $0xB  }
0x3e: {  	v50 =	vshrl.u32 v25, $0xB;
	v6 =	vand.u32 $0xFFE, v6;
	v0 =	vand.u32 $0x1, v0  }
0x3f: {  	v11 =	vand.u32 $0xFFE, v11;
	v17 =	vand.u32 $0xFFE, v13;
	v13 =	vshll.u32 v7, $0x1  }
0x40: {  	v7 =	vand.u32 $0xFFFFF000, v10;
	v6 =	vor.u32 v8, v6;
	v8 =	vshll.u32 v2, $0x1  }
0x41: {  	v1 =	vand.u32 $0xFFE, v13;
	v13 =	vshll.u32 v10, $0x1;
	v11 =	vor.u32 v27, v11  }
0x42: {  	v27 =	vand.u32 $0x1, v24;
	v24 =	vand.u32 $0x1, v63;
	v15 =	vor.u32 v0, v6  }
0x43: {  	v0 =	vand.u32 $0xFFE, v9;
	v6 =	vand.u32 $0xFFE, v8;
	v8 =	vshll.u32 v4, $0x1  }
0x44: {  	v9 =	vld [tilespmem:s13+$0x10];
	v22 =	vand.u32 $0xFFE, v13;
	v13 =	vshll.u32 v12, $0x1;
	v4 =	vshll.u32 v23, $0x1  }
0x45: {  	v8 =	vand.u32 $0xFFE, v8;
	v2 =	vand.u32 $0xFFE, v13;
	v35 =	vand.u32 $0xFFE, v4  }
0x46: {  	v4 =	vshll.u32 v25, $0x1;
	v7 =	vor.u32 v7, v22;
	v22 =	vand.u32 $0x1, v39  }
0x47: {  	[tilespmem:s13+$0x70] =	vst v15;
	v15 =	vand.u32 $0x1, v50;
	v37 =	vand.u32 $0xFFE, v4;
	v4 =	vand.u32 $0xFFE, v36  }
0x48: {  	v10 =	vor.u32 v29, v8;
	v8 =	vor.u32 v5, v1;
	v29 =	vand.u32 $0x1, v19  }
0x49: {  	v19 =	vand.u32 $0x1, v45;
	v13 =	vshll.u32 v9, $0x1;
	v42 =	vand.u32 $0xFFFFF000, v9  }
0x4a: {  	v43 =	vshrl.u32 v9, $0xB;
	v9 =	vor.u32 v34, v17;
	v17 =	vand.u32 $0x1, v48  }
0x4b: {  	v28 =	vand.u32 $0xFFE, v13;
	v13 =	vshll.u32 v14, $0x1;
	v14 =	vor.u32 v16, v0  }
0x4c: {  	v16 =	vand.u32 $0x1, v49;
	v3 =	vand.u32 $0xFFE, v13;
	v13 =	vshll.u32 v18, $0x1  }
0x4d: {  	v18 =	vshrl.u32 v18, $0xB;
	v5 =	vor.u32 v42, v28;
	v31 =	vand.u32 $0xFFE, v13  }
0x4e: {  	v13 =	vshll.u32 v20, $0x1;
	v20 =	vand.u32 $0xFFFFF000, v23;
	v23 =	vand.u32 $0xFFFFF000, v25  }
0x4f: {  	v25 =	vand.u32 $0x1, v32;
	v18 =	vand.u32 $0x1, v18;
	v33 =	vand.u32 $0xFFE, v13  }
0x50: {  	v13 =	vand.u32 $0xFFFFF000, v26;
	v26 =	vshrl.u32 v26, $0xB;
	v1 =	vor.u32 v20, v35  }
0x51: {  	v0 =	vor.u32 v23, v37;
	v23 =	vand.u32 $0x1, v38;
	v20 =	vand.u32 $0x1, v43  }
0x52: {  	v12 =	vor.u32 v13, v4;
	v13 =	vor.u32 v21, v6;
	v6 =	vor.u32 v40, v2  }
0x53: {  	v4 =	vor.u32 v44, v3;
	v3 =	vor.u32 v46, v31;
	v2 =	vor.u32 v47, v33  }
0x54: {  	s6 =	simm.s32 $0x180;
	s12 =	simm.s32 $0x80;
	s5 =	simm.s32 $0x0;
	v28 =	vand.u32 $0x1, v26;
	v26 =	vand.u32 $0x1, v30;
	v21 =	vand.u32 $0x1, v41  }
.LBB2_2:
0x55: {  	v30 =	vld [tilespmem:s6+$0x70];
	s5 =	sadd.s32 $0x2, s5;
	v12 =	vor.u32 v28, v12;
	v14 =	vor.u32 v29, v14;
	v13 =	vor.u32 v27, v13  }
0x56: {  	v11 =	vor.u32 v26, v11;
	v10 =	vor.u32 v25, v10;
	v9 =	vor.u32 v24, v9;
	v27 =	vld [tilespmem:s6+$0xFFFFFF90];
	p0 =	slt.u32 s5, $0xC6;
	[tilespmem:s12+$0xFFFFFF80] =	vst v12  }
0x57: {  	v8 =	vor.u32 v23, v8;
	v7 =	vor.u32 v22, v7;
	v6 =	vor.u32 v21, v6;
	v12 =	vld [tilespmem:s6+$0xFFFFFFA0];
	[tilespmem:s12+$0xFFFFFF90] =	vst v14  }
0x58: {  	v5 =	vor.u32 v20, v5;
	v4 =	vor.u32 v19, v4;
	v3 =	vor.u32 v18, v3;
	v14 =	vld [tilespmem:s6+$0xFFFFFFB0];
	[tilespmem:s12+$0xFFFFFFA0] =	vst v13  }
0x59: {  	v2 =	vor.u32 v17, v2;
	v1 =	vor.u32 v16, v1;
	v0 =	vor.u32 v15, v0;
	v13 =	vld [tilespmem:s6+$0xFFFFFFC0];
	[tilespmem:s12+$0xFFFFFFB0] =	vst v11  }
0x5a: {  	v11 =	vld [tilespmem:s6+$0xFFFFFFD0];
	v15 =	vshll.u32 v30, $0x1;
	[tilespmem:s12+$0xFFFFFFC0] =	vst v10  }
0x5b: {  	v16 =	vand.u32 $0xFFFFF000, v30;
	v17 =	vshrl.u32 v30, $0xB;
	v10 =	vld [tilespmem:s6+$0xFFFFFFE0];
	v15 =	vand.u32 $0xFFE, v15;
	[tilespmem:s12+$0xFFFFFFD0] =	vst v9  }
0x5c: {  	v9 =	vshll.u32 v27, $0x1;
	v17 =	vand.u32 $0x1, v17;
	v18 =	vld [tilespmem:s6+$0xFFFFFFF0];
	v15 =	vor.u32 v16, v15;
	[tilespmem:s12+$0xFFFFFFE0] =	vst v8  }
0x5d: {  	v8 =	vshll.u32 v12, $0x1;
	v16 =	vshll.u32 v14, $0x1;
	v19 =	vld [tilespmem:s6+$0x0];
	v15 =	vor.u32 v17, v15;
	[tilespmem:s12+$0xFFFFFFF0] =	vst v7  }
0x5e: {  	v7 =	vand.u32 $0xFFE, v9;
	v8 =	vand.u32 $0xFFE, v8;
	v9 =	vshll.u32 v13, $0x1;
	v17 =	vld [tilespmem:s6+$0x10];
	[tilespmem:s6+$0x70] =	vst v15  }
0x5f: {  	v15 =	vand.u32 $0xFFE, v16;
	v9 =	vand.u32 $0xFFE, v9;
	v16 =	vshll.u32 v11, $0x1;
	v20 =	vld [tilespmem:s6+$0x20];
	[tilespmem:s12+$0x0] =	vst v6  }
0x60: {  	v6 =	vand.u32 $0xFFFFF000, v27;
	v16 =	vand.u32 $0xFFE, v16;
	v21 =	vshll.u32 v10, $0x1;
	v22 =	vld [tilespmem:s6+$0x30];
	[tilespmem:s12+$0x10] =	vst v5  }
0x61: {  	v23 =	vshrl.u32 v27, $0xB;
	v5 =	vand.u32 $0xFFE, v21;
	v21 =	vshll.u32 v18, $0x1;
	v24 =	vld [tilespmem:s6+$0x40];
	[tilespmem:s12+$0x20] =	vst v4  }
0x62: {  	v4 =	vand.u32 $0xFFFFF000, v12;
	v21 =	vand.u32 $0xFFE, v21;
	v25 =	vshll.u32 v19, $0x1;
	v26 =	vld [tilespmem:s6+$0x50];
	[tilespmem:s12+$0x30] =	vst v3  }
0x63: {  	v27 =	vshrl.u32 v12, $0xB;
	v3 =	vand.u32 $0xFFE, v25;
	v12 =	vshll.u32 v17, $0x1;
	v25 =	vld [tilespmem:s6+$0x60];
	[tilespmem:s12+$0x40] =	vst v2  }
0x64: {  	v28 =	vand.u32 $0xFFFFF000, v14;
	v2 =	vld [tilespmem:s6+$0xFFFFFF80];
	v29 =	vand.u32 $0xFFE, v12;
	v12 =	vshll.u32 v20, $0x1;
	[tilespmem:s12+$0x50] =	vst v1  }
0x65: {  	v30 =	vshrl.u32 v14, $0xB;
	v1 =	vand.u32 $0xFFE, v12;
	v12 =	vshll.u32 v22, $0x1;
	[tilespmem:s12+$0x60] =	vst v0;
	s12 =	smov.u32 s6  }
0x66: {  	v0 =	vand.u32 $0xFFFFF000, v13;
	v31 =	vand.u32 $0xFFE, v12;
	v12 =	vshll.u32 v24, $0x1  }
0x67: {  	v32 =	vshrl.u32 v13, $0xB;
	v33 =	vand.u32 $0xFFE, v12;
	v12 =	vshll.u32 v26, $0x1  }
0x68: {  	v34 =	vand.u32 $0xFFFFF000, v11;
	v35 =	vand.u32 $0xFFE, v12;
	v12 =	vshll.u32 v25, $0x1  }
0x69: {  	v13 =	vand.u32 $0xFFFFF000, v2;
	v14 =	vshll.u32 v2, $0x1;
	v36 =	vand.u32 $0xFFE, v12  }
0x6a: {  	v38 =	vshrl.u32 v11, $0xB;
	v37 =	vshrl.u32 v2, $0xB;
	v2 =	vand.u32 $0xFFE, v14  }
0x6b: {  	v39 =	vand.u32 $0xFFFFF000, v10;
	v40 =	vshrl.u32 v10, $0xB;
	v41 =	vand.u32 $0xFFFFF000, v18  }
0x6c: {  	v18 =	vshrl.u32 v18, $0xB;
	v42 =	vand.u32 $0xFFFFF000, v19;
	v19 =	vshrl.u32 v19, $0xB  }
0x6d: {  	v43 =	vand.u32 $0xFFFFF000, v17;
	v17 =	vshrl.u32 v17, $0xB;
	v44 =	vand.u32 $0xFFFFF000, v20  }
0x6e: {  	v45 =	vshrl.u32 v20, $0xB;
	v20 =	vand.u32 $0xFFFFF000, v22;
	v46 =	vshrl.u32 v22, $0xB  }
0x6f: {  	v22 =	vand.u32 $0xFFFFF000, v24;
	v47 =	vshrl.u32 v24, $0xB;
	v24 =	vand.u32 $0xFFFFF000, v26  }
0x70: {  	v48 =	vshrl.u32 v26, $0xB;
	v26 =	vand.u32 $0xFFFFF000, v25;
	v49 =	vshrl.u32 v25, $0xB  }
0x71: {  	v14 =	vor.u32 v6, v7;
	v12 =	vor.u32 v13, v2;
	v13 =	vor.u32 v4, v8  }
0x72: {  	v11 =	vor.u32 v28, v15;
	v10 =	vor.u32 v0, v9;
	v9 =	vor.u32 v34, v16  }
0x73: {  	v7 =	vor.u32 v41, v21;
	v6 =	vor.u32 v42, v3;
	v8 =	vor.u32 v39, v5  }
0x74: {  	v3 =	vor.u32 v20, v31;
	v5 =	vor.u32 v43, v29;
	v4 =	vor.u32 v44, v1  }
0x75: {  	v0 =	vor.u32 v26, v36;
	v2 =	vor.u32 v22, v33;
	v1 =	vor.u32 v24, v35  }
.Ltmp2:
0x76: {  	v27 =	vand.u32 $0x1, v27;
	v28 =	vand.u32 $0x1, v37;
	v29 =	vand.u32 $0x1, v23;
	(pc) =	sbr.rel @p0 .LBB2_2-.Ltmp2, $4  }
0x77: {  	v25 =	vand.u32 $0x1, v32;
	v26 =	vand.u32 $0x1, v30;
	v24 =	vand.u32 $0x1, v38  }
0x78: {  	v21 =	vand.u32 $0x1, v19;
	v23 =	vand.u32 $0x1, v40;
	v22 =	vand.u32 $0x1, v18  }
0x79: {  	v20 =	vand.u32 $0x1, v17;
	v19 =	vand.u32 $0x1, v45;
	v18 =	vand.u32 $0x1, v46  }
0x7a: {  	s6 =	sadd.s32 $0x100, s6;
	v16 =	vand.u32 $0x1, v48;
	v15 =	vand.u32 $0x1, v49;
	v17 =	vand.u32 $0x1, v47  }
0x7b: {  	v12 =	vor.u32 v28, v12  }
0x7c: {  	v14 =	vor.u32 v29, v14;
	[tilespmem:s12+$0xFFFFFF80] =	vst v12  }
0x7d: {  	v63 =	vor.u32 v27, v13;
	[tilespmem:s12+$0xFFFFFF90] =	vst v14  }
0x7e: {  	v11 =	vor.u32 v26, v11;
	[tilespmem:s12+$0xFFFFFFA0] =	vst v63  }
0x7f: {  	v10 =	vor.u32 v25, v10;
	[tilespmem:s12+$0xFFFFFFB0] =	vst v11  }
0x80: {  	v9 =	vor.u32 v24, v9;
	[tilespmem:s12+$0xFFFFFFC0] =	vst v10  }
0x81: {  	v8 =	vor.u32 v23, v8;
	[tilespmem:s12+$0xFFFFFFD0] =	vst v9  }
0x82: {  	v7 =	vor.u32 v22, v7;
	[tilespmem:s12+$0xFFFFFFE0] =	vst v8  }
0x83: {  	v6 =	vor.u32 v21, v6;
	[tilespmem:s12+$0xFFFFFFF0] =	vst v7  }
0x84: {  	v5 =	vor.u32 v20, v5;
	[tilespmem:s12+$0x0] =	vst v6  }
0x85: {  	v4 =	vor.u32 v19, v4;
	[tilespmem:s12+$0x10] =	vst v5  }
0x86: {  	v3 =	vor.u32 v18, v3;
	[tilespmem:s12+$0x20] =	vst v4  }
0x87: {  	v2 =	vor.u32 v17, v2;
	[tilespmem:s12+$0x30] =	vst v3  }
0x88: {  	v1 =	vor.u32 v16, v1;
	[tilespmem:s12+$0x40] =	vst v2  }
0x89: {  	v0 =	vor.u32 v15, v0;
	[tilespmem:s12+$0x50] =	vst v1  }
0x8a: {  	s5 =	simm.s32 $0x0;
	s6 =	simm.s32 $0x6400;
	[tilespmem:s12+$0x60] =	vst v0  }
0x8b: {  	[tilespmem:s6], [sflag:$0x1] =	stream.indirect.gather [hbm4b:s4+s13], $0x40, s5, s13, $0xb8;
	[tilespmem:$0x16400] =	vst v63  }
0x8c: {  	s14 =	simm.s32 $0x8400  }
0x8d: {  	[tilespmem:s14], [sflag:$0x2] =	stream.indirect.gather [hbm4b:s4+s13], $0x40, s13, s13, $0xb8;
	[tilespmem:$0x16400] =	vst v63  }
0x8e: {  	s15 =	simm.s32 $0x100;
	s7 =	simm.s32 $0xA400  }
0x8f: {  	[tilespmem:s7], [sflag:$0x3] =	stream.indirect.gather [hbm4b:s4+s13], $0x40, s15, s13, $0xb8;
	[tilespmem:$0x16400] =	vst v63  }
0x90: {  	s17 =	simm.s32 $0x180;
	s6 =	rddreg [dreg:$0x1]  }
0x91: {  	[tilespmem:s19], [sflag:$0x4] =	stream.indirect.gather [hbm4b:s4+s13], $0x40, s17, s13, $0xb8;
	[tilespmem:$0x16400] =	vst v63  }
.LBB2_4:
0x92: {  	_ =	swait.ge [sflag:s20], $0x2000  }
0x93: {  	s12 =	sadd.s32 s6, s11;
	p0 =	seq.s32 s5, $0x0;
	[sflag:s20] =	ssyncset.done $0x0  }
0x94: {  	s7 =	simm.s32 $0x6400;
	s14 =	simm.s32 @!p0 $0xD;
	[sflag:s20] =	ssyncadd.s32 $0xFFFFE000  }
0x95: {  	[hbm4b:s12+s3] =	stream.linear.scatter [tilespmem:s7], [sflag:$0x9], $0x2000, $0x38;
	[tilespmem:$0x16400] =	vst v63  }
0x96: {  	_ =	swait.ge @!p0 [sflag:s14], $0x2000  }
0x97: {  	s12 =	sshra.s32 s5, $0x2;
	[sflag:s14] =	ssyncset.done @!p0 $0x0  }
0x98: {  	s15 =	sadd.s32 $0x200, s12;
	[sflag:s14] =	ssyncadd.s32 @!p0 $0xFFFFE000  }
0x99: {  	[tilespmem:s21], [sflag:$0x5] =	stream.indirect.gather [hbm4b:s4+s13], $0x40, s15, s13, $0xb8;
	[tilespmem:$0x16400] =	vst v63  }
0x9a: {  	_ =	swait.ge [sflag:s22], $0x2000  }
0x9b: {  	s14 =	sadd.s32 s6, s9;
	[sflag:s22] =	ssyncset.done $0x0  }
0x9c: {  	s17 =	simm.s32 $0x8400;
	s15 =	sadd.s32 $0x400, s14;
	[sflag:s22] =	ssyncadd.s32 $0xFFFFE000  }
0x9d: {  	[hbm4b:s15+s3] =	stream.linear.scatter [tilespmem:s17], [sflag:$0xA], $0x2000, $0x38;
	[tilespmem:$0x16400] =	vst v63  }
0x9e: {  	s15 =	simm.s32 @!p0 $0xE  }
0x9f: {  	_ =	swait.ge @!p0 [sflag:s15], $0x2000  }
0xa0: {  	[sflag:s15] =	ssyncset.done @!p0 $0x0  }
0xa1: {  	s8 =	sadd.s32 $0x280, s12;
	[sflag:s15] =	ssyncadd.s32 @!p0 $0xFFFFE000  }
0xa2: {  	[tilespmem:s23], [sflag:$0x6] =	stream.indirect.gather [hbm4b:s4+s13], $0x40, s8, s13, $0xb8;
	[tilespmem:$0x16400] =	vst v63  }
0xa3: {  	_ =	swait.ge [sflag:s24], $0x2000  }
0xa4: {  	s15 =	simm.s32 @!p0 $0xF;
	[sflag:s24] =	ssyncset.done $0x0;
	s17 =	rddreg [dreg:$0x5]  }
0xa5: {  	[sflag:s24] =	ssyncadd.s32 $0xFFFFE000;
	s8 =	sadd.s32 s6, s17;
	s17 =	simm.s32 $0xA400  }
0xa6: {  	[hbm4b:s8+s3] =	stream.linear.scatter [tilespmem:s17], [sflag:$0xB], $0x2000, $0x38;
	[tilespmem:$0x16400] =	vst v63  }
0xa7: {  	_ =	swait.ge @!p0 [sflag:s15], $0x2000  }
0xa8: {  	[sflag:s15] =	ssyncset.done @!p0 $0x0  }
0xa9: {  	s8 =	sadd.s32 $0x300, s12;
	[sflag:s15] =	ssyncadd.s32 @!p0 $0xFFFFE000  }
0xaa: {  	[tilespmem:s25], [sflag:$0x7] =	stream.indirect.gather [hbm4b:s4+s13], $0x40, s8, s13, $0xb8;
	[tilespmem:$0x16400] =	vst v63  }
0xab: {  	_ =	swait.ge [sflag:s26], $0x2000  }
0xac: {  	[sflag:s26] =	ssyncset.done $0x0  }
0xad: {  	s17 =	sadd.s32 $0xC00, s14;
	s15 =	simm.s32 @!p0 $0x10;
	[sflag:s26] =	ssyncadd.s32 $0xFFFFE000  }
0xae: {  	[hbm4b:s17+s3] =	stream.linear.scatter [tilespmem:s19], [sflag:$0xC], $0x2000, $0x38;
	[tilespmem:$0x16400] =	vst v63  }
0xaf: {  	_ =	swait.ge @!p0 [sflag:s15], $0x2000  }
0xb0: {  	[sflag:s15] =	ssyncset.done @!p0 $0x0  }
0xb1: {  	s7 =	sadd.s32 $0x380, s12;
	[sflag:s15] =	ssyncadd.s32 @!p0 $0xFFFFE000  }
0xb2: {  	[tilespmem:s28], [sflag:$0x8] =	stream.indirect.gather [hbm4b:s4+s13], $0x40, s7, s13, $0xb8;
	[tilespmem:$0x16400] =	vst v63  }
0xb3: {  	_ =	swait.ge [sflag:s29], $0x2000  }
0xb4: {  	[sflag:s29] =	ssyncset.done $0x0  }
0xb5: {  	s8 =	sadd.s32 s6, s10;
	[sflag:s29] =	ssyncadd.s32 $0xFFFFE000  }
0xb6: {  	[hbm4b:s8+s3] =	stream.linear.scatter [tilespmem:s21], [sflag:$0xD], $0x2000, $0x38;
	[tilespmem:$0x16400] =	vst v63  }
0xb7: {  	p0 =	seq.s32 s5, $0x18000;
	_ =	swait.ge [sflag:s30], $0x2000  }
0xb8: {  	s15 =	sshra.s32 @!p0 s5, $0x2;
	s7 =	simm.s32 @!p0 $0x80;
	[sflag:s30] =	ssyncset.done $0x0  }
0xb9: {  	s17 =	sadd.s32 @!p0 $0x400, s15;
	s8 =	simm.s32 @!p0 $0x6400;
	[sflag:s30] =	ssyncadd.s32 $0xFFFFE000  }
0xba: {  	[tilespmem:s8], [sflag:$0x1] =	stream.indirect.gather @!p0 [hbm4b:s4+s7], $0x40, s17, s7, $0xb8;
	[tilespmem:$0x16400] =	vst v63  }
0xbb: {  	_ =	swait.ge [sflag:s31], $0x2000  }
0xbc: {  	[sflag:s31] =	ssyncset.done $0x0  }
0xbd: {  	s17 =	sadd.s32 $0x1400, s14;
	[sflag:s31] =	ssyncadd.s32 $0xFFFFE000  }
0xbe: {  	[hbm4b:s17+s3] =	stream.linear.scatter [tilespmem:s23], [sflag:$0xE], $0x2000, $0x38;
	[tilespmem:$0x16400] =	vst v63  }
0xbf: {  	_ =	swait.ge [sflag:s1], $0x2000  }
0xc0: {  	[sflag:s1] =	ssyncset.done $0x0  }
0xc1: {  	s8 =	sadd.s32 @!p0 $0x480, s15;
	s17 =	simm.s32 @!p0 $0x8400;
	[sflag:s1] =	ssyncadd.s32 $0xFFFFE000  }
0xc2: {  	[tilespmem:s17], [sflag:$0x2] =	stream.indirect.gather @!p0 [hbm4b:s4+s7], $0x40, s8, s7, $0xb8;
	[tilespmem:$0x16400] =	vst v63  }
0xc3: {  	_ =	swait.ge [sflag:s0], $0x2000  }
0xc4: {  	[sflag:s0] =	ssyncset.done $0x0;
	s17 =	rddreg [dreg:$0x6]  }
0xc5: {  	[sflag:s0] =	ssyncadd.s32 $0xFFFFE000;
	s8 =	sadd.s32 s6, s17  }
0xc6: {  	[hbm4b:s8+s3] =	stream.linear.scatter [tilespmem:s25], [sflag:$0xF], $0x2000, $0x38;
	[tilespmem:$0x16400] =	vst v63  }
0xc7: {  	_ =	swait.ge [sflag:s2], $0x2000  }
0xc8: {  	[sflag:s2] =	ssyncset.done $0x0  }
0xc9: {  	s8 =	sadd.s32 @!p0 $0x500, s15;
	s15 =	simm.s32 @!p0 $0xA400;
	[sflag:s2] =	ssyncadd.s32 $0xFFFFE000  }
0xca: {  	[tilespmem:s15], [sflag:$0x3] =	stream.indirect.gather @!p0 [hbm4b:s4+s7], $0x40, s8, s7, $0xb8;
	[tilespmem:$0x16400] =	vst v63  }
0xcb: {  	_ =	swait.ge [sflag:s16], $0x2000  }
0xcc: {  	[sflag:s16] =	ssyncset.done $0x0  }
.Ltmp3:
0xcd: {  	s17 =	sadd.s32 $0x1C00, s14;
	[sflag:s16] =	ssyncadd.s32 $0xFFFFE000;
	(pc) =	sbr.rel @p0 .LBB2_6-.Ltmp3, $4  }
0xce: {  	[hbm4b:s17+s3] =	stream.linear.scatter [tilespmem:s28], [sflag:$0x10], $0x2000, $0x38;
	[tilespmem:$0x16400] =	vst v63  }
0xcf: {  	_ =	swait.ge [sflag:s18], $0x2000  }
0xd0: {  	[sflag:s18] =	ssyncset.done $0x0  }
0xd1: {  	[sflag:s18] =	ssyncadd.s32 $0xFFFFE000  }
.Ltmp4:
0xd2: {  	(pc) =	sbr.rel .LBB2_4-.Ltmp4, $3  }
0xd3: {  	_ =	sdelay $0x1  }
0xd4: {  	s7 =	sadd.s32 $0x580, s12;
	s5 =	sadd.s32 $0x1000, s5;
	s6 =	sadd.s32 $0x2000, s6  }
0xd5: {  	[tilespmem:s19], [sflag:$0x4] =	stream.indirect.gather [hbm4b:s4+s13], $0x40, s7, s13, $0xb8;
	[tilespmem:$0x16400] =	vst v63  }
.LBB2_7:
0xd6: {  	_ =	sfence.sel $0x180000  }
0xd7: {  	[bflag:$0x0] =	sbarrier.arrive $0xFFFF  }
0xd8: {  	_ =	strace $0x90000047  }
0xd9: {  	s0 =	stileid.u32;
	[bflag:$0x2] =	sbarrier.arrive $0xFFFF  }
0xda: {  	p0 =	sne.s32 s0, $0x0;
	s0 =	rddreg [dreg:$0x2]  }
0xdb: {  	s0 =	sadd.s32 @!p0 $0x100000, s0  }
0xdc: {  	[sflag:s0] =	ssyncadd.tile.s32 @!p0 $0x1;
	_ =	shalt  }
.Lfunc_end2:
_tile_overlayer_lowered:
.L_overlay_start_2:
0xdd: {  	(tag) =	ssettag $0x2  }
0xde: {  	s0 =	rddreg [dreg:$0x0];
	s2 =	stileid.u32  }
0xdf: {  	s1 =	rddreg [dreg:$0x1];
	p0 =	sne.s32 s2, $0x0  }
0xe0: {  	s3 =	rddreg [dreg:$0x2];
	[bflag:$0x3] =	sbarrier.arrive $0xFFFF;
	s2 =	simm.s32 @!p0 $0x1C11  }
0xe1: {  	[timem:s3], [sflag:s2] =	dma.local @!p0 [hbm:s0], s1  }
0xe2: {  	s0 =	simm.s32 @!p0 $0x11  }
0xe3: {  	_ =	swait.ge @!p0 [sflag:s0], s1  }
0xe4: {  	s1 =	ssub.s32 @!p0 $0x0, s1;
	[sflag:s0] =	ssyncset.done @!p0 $0x0  }
0xe5: {  	[sflag:s0] =	ssyncadd.s32 @!p0 s1  }
0xe6: {  	[bflag:$0x3] =	sbarrier.arrive $0xFFFF  }
0xe7: {  	_ =	shalt  }

// kernel: sparse-core-data-format-call.cloned.1.call-start
scs
called_computation_lowered:
.L_overlay_start_0:
0x0: {  	s2 =	sld [smem:$0x3FD9]  }
0x1: {  	s3 =	sld [smem:$0x3FFE];
	_ =	sdelay $0x1  }
0x2: {  	s1 =	srdreg.scid  }
0x3: {  	s0 =	sand.u32 $0x1, s1  }
0x4: {  	s18 =	sshll.u32 s0, $0xA;
	s2 =	sadd.s32 s3, s2  }
0x5: {  	s2 =	sadd.s32 s2, s18  }
0x6: {  	[smem:$0x3FC6] =	sst s2  }
0x7: {  	_ = 	snop  }
0x8: {  	s2 =	sld [smem:$0x3FD0];
	(tm) =	ssettm $0x1  }
0x9: {  	s19 =	sld [smem:$0x3FFB];
	_ =	sdelay $0x3  }
0xa: {  	_ =	strace s19  }
0xb: {  	s3 =	sld [smem:$0x3FFC];
	_ =	sdelay $0x3  }
0xc: {  	_ =	strace s3  }
0xd: {  	s3 =	sld [smem:$0x3FFD];
	_ =	sdelay $0x3  }
0xe: {  	_ =	strace s3  }
0xf: {  	_ =	strace $0x8FFFFFFF  }
0x10: {  	s20 =	sld [smem:$0x3FDB];
	_ =	sdelay $0x1  }
0x11: {  	s4 =	simm.s32 $_scs_section_size  }
0x12: {  	s5 =	simm.s32 $_size__tile_overlayer_lowered;
	s6 =	simm.s32 $_tile_overlayer_lowered  }
0x13: {  	s23 =	simm.s32 $0x1BFF;
	s22 =	sshll.u32 s6, $0x1;
	s3 =	sadd.s32 s4, s20  }
0x14: {  	s7 =	simm.s32 $0x0;
	s21 =	sshll.u32 s5, $0x1;
	s5 =	sadd.s32 s22, s3  }
0x15: {  	[timem:s7], [sflag:s23] =	dma.local [hbm:s5], s21  }
0x16: {  	_ =	swait.ge [sflag:s23], s21  }
0x17: {  	s4 =	ssub.s32 $0x0, s21;
	[sflag:s23] =	ssyncset.done $0x0  }
0x18: {  	[sflag:s23] =	ssyncadd.s32 s4;
	_ =	sdelay $0x1  }
0x19: {  	s24 =	simm.s32 $0x1B8B  }
0x1a: {  	_ =	swait.ge [sflag:s24], $0x1  }
0x1b: {  	[sflag:s24] =	ssyncset.done $0x0  }
0x1c: {  	s26 =	simm.s32 $0x1B8E;
	s25 =	sld [smem:$0x3FFE];
	[sflag:s24] =	ssyncadd.s32 $0xFFFFFFFF  }
0x1d: {  	s27 =	simm.s32 $execute0_lowered;
	[smem:$0x3FD2] =	sst s26  }
0x1e: {  	s5 =	sshll.u32 s27, $0x1;
	_ =	strace $0x80000049;
	[dreg:$0x1] =	wrdreg $0xFFFFFFFF  }
0x1f: {  	s28 =	simm.s32 $_size_execute0_lowered;
	s3 =	sadd.s32 s3, s5;
	[dreg:$0x0] =	wrdreg $0x0  }
0x20: {  	s5 =	sshll.u32 s28, $0x1;
	[dreg:$0x2] =	wrdreg s3  }
0x21: {  	[dreg:$0x3] =	wrdreg s5  }
0x22: {  	[dreg:$0x4] =	wrdreg $0xC0  }
0x23: {  	_ =	task [dreg:s7], $0x5FFFF  }
0x24: {  	[dreg:$0x1] =	wrdreg $0xFFFFFFFF  }
0x25: {  	[dreg:$0x0] =	wrdreg $0x60  }
0x26: {  	[dreg:$0x2] =	wrdreg s25  }
0x27: {  	[dreg:$0x3] =	wrdreg s2  }
0x28: {  	[dreg:$0x4] =	wrdreg $0x9  }
0x29: {  	_ =	task.clear_ibuf [dreg:s7], $0x5FFFF;
	_ =	strace $0x90000049  }
0x2a: {  	s29 =	simm.s32 $0x9;
	_ =	strace $0x8000004B  }
0x2b: {  	_ =	swait.ge [sflag:s29], $0x1  }
0x2c: {  	[sflag:s29] =	ssyncadd.s32 $0xFFFFFFFF  }
0x2d: {  	_ =	strace $0x9000004B  }
0x2e: {  	_ =	sfence  }
0x2f: {  	s30 =	sld [smem:$0x0];
	_ =	sdelay $0x2  }
0x30: {  	s31 =	sshll.u32 s1, $0xD;
	s1 =	sshrl.u32 s1, $0x2  }
0x31: {  	s3 =	sand.u32 $0x4000, s31;
	s1 =	sadd.s32 s1, s30  }
0x32: {  	s0 =	sor.u32 s3, s0;
	s1 =	sshll.u32 s1, $0x11  }
0x33: {  	s0 =	sor.u32 s1, s0  }
0x34: {  	s0 =	sadd.s32 $0x8F2B, s0  }
0x35: {  	[sflag:s0] =	ssyncadd.remote.s32 $0x1  }
0x36: {  	_ =	sfence.sel $0xFFFF  }
0x37: {  	[dreg:$0x0] =	wrdreg $0xFFFFFFFF;
	(pc) =	sbr.abs _section_cstart, $3  }
0x38: {  	[dreg:$0x1] =	wrdreg $0xFFFFFFFF  }
0x39: {  	_ =	task.clear_ibuf [dreg:s7], $0x2FFFF;
	_ =	strace $0x9FFFFFFF  }
0x3a: {  	(tm) =	ssettm $0x7FFFFFFF  }
0x3b: {  	_ =	shalt  }
tec
execute0_lowered:
.L_overlay_start_1:
0x0: {  	(tag) =	ssettag $0x1  }
0x1: {  	s0 =	srdreg.scid  }
0x2: {  	s1 =	sshll.u32 s0, $0x4  }
0x3: {  	s0 =	stileid.u32;
	s1 =	sand.u32 $0x10, s1  }
0x4: {  	s1 =	sor.u32 s0, s1  }
0x5: {  	s6 =	rddreg [dreg:$0x0];
	s4 =	simm.s32 $0x1;
	s2 =	sshll.u32 s1, $0x7  }
0x6: {  	s7 =	simm.s32 $0x2;
	s12 =	simm.s32 $0x0;
	s1 =	ssub.s32 $0x1000, s2  }
0x7: {  	s8 =	simm.s32 $0x8000;
	s13 =	simm.s32 $0x0;
	s3 =	sand.u32 $0xF80, s1  }
0x8: {  	s9 =	simm.s32 $0x0;
	s5 =	sshrl.u32 s1, $0xC;
	p0 =	sne.s32 s3, $0x0  }
.Ltmp0:
0x9: {  	s1 =	rddreg [dreg:$0x2];
	s4 =	simm.s32 @!p0 $0x0;
	(pc) =	sbr.rel .LBB1_1-.Ltmp0, $4  }
0xa: {  	s11 =	simm.s32 $0x0;
	s3 =	rddreg [dreg:$0x1];
	s5 =	sadd.s32 s4, s5  }
0xb: {  	_ =	strace $0x8000004A;
	s4 =	simm.s32 $0x1;
	s5 =	smul.u32 $0xC8, s5  }
0xc: {  	s6 =	sadd.s32 $0x800, s6;
	s10 =	smov.u32 s2;
	[sflag:s4] =	ssyncpa.u1 $0x0  }
0xd: {  	p0 =	por $0x0, $0x0;
	[sflag:s7] =	ssyncpa.u1 $0x0;
	s7 =	sor.u32 $0x1, s5  }
.LBB1_4:
0xe: {  	s16 =	sshll.u32 s13, $0x3;
	s17 =	sand.u32 $0x78, s13  }
0xf: {  	s30 =	sand.u32 $0x7E00, s13;
	s12 =	sshll.u32 s12, $0xF;
	s16 =	sand.u32 $0xC00, s16  }
0x10: {  	[tilespmem:s15+$0x810 ss:$0x81] =	vst.msk $0xffff, v2;
	s31 =	sand.u32 $0x7, s13;
	s16 =	sor.u32 s17, s16;
	s17 =	sadd.s32 s3, s30  }
0x11: {  	[tilespmem:s15+$0x1020 ss:$0x81] =	vst.msk $0xffff, v0;
	s13 =	sshll.u32 s31, $0x12;
	s12 =	sadd.s32 s12, s17;
	s16 =	sshrl.u32 s16, $0x3  }
0x12: {  	[tilespmem:s15+$0x0 ss:$0x81] =	vst.msk $0xffff, v1;
	s13 =	sor.u32 $0x400, s13;
	s12 =	sadd.s32 s16, s12  }
0x13: {  	[hbm4b:s12+s13] =	stream.strided.scatter [tilespmem:s14], [sflag:$0x2], $0x2000, s8, s13, $0x20;
	[tilespmem:$0x8080] =	vst v63  }
.LBB1_5:
0x14: {  	s14 =	sadd.s32 $0x1, s9  }
0x15: {  	s12 =	sadd.s32 $0x1000, s10;
	s16 =	smov.u32 s10;
	p2 =	sgt.s32 s14, $0xC7  }
0x16: {  	s16 =	smov.u32 @p2 s12  }
0x17: {  	s14 =	simm.s32 @p2 $0x0;
	p2 =	sgt.s32 s16, $0xFFF  }
0x18: {  	s16 =	smov.u32 @p2 s2;
	p2 =	sne.s32 s11, s7  }
.Ltmp1:
0x19: {  	p1 =	slt.u32 s11, $0x2;
	(pc) =	sbr.rel @!p2 .LBB1_6-.Ltmp1, $4  }
0x1a: {  	s15 =	simm.s32 @!p1 $0x2  }
0x1b: {  	s13 =	smov.u32 s10;
	p0 =	por !p0, !p0;
	_ =	swait.ge @!p1 [sflag:s15], $0x2000  }
0x1c: {  	s12 =	smov.u32 s9;
	[sflag:s15] =	ssyncset.done @!p1 $0x0;
	s9 =	smov.u32 s14  }
0x1d: {  	s11 =	sadd.s32 $0x1, s11;
	[sflag:s15] =	ssyncadd.s32 @!p1 $0xFFFFE000;
	s10 =	smov.u32 s16  }
.LBB1_1:
0x1e: {  	p1 =	sge.u32 s11, s5  }
0x1f: {  	s14 =	sand.u32 @!p1 $0x1FFFFFF, s9  }
0x20: {  	s15 =	smulhi.u32 @!p1 $0x147AE15, s14;
	_ =	sdelay $0x1  }
0x21: {  	s15 =	smul.u32 @!p1 $0xC8, s15  }
0x22: {  	s16 =	sxor.u32 @!p1 $0xFFFFFFFF, s11;
	s17 =	smul.u32 @!p1 $0xC80, s10  }
0x23: {  	s31 =	sadd.s32 $0xFFFFFFFF, s11;
	s16 =	sshll.u32 @!p1 s16, $0xD;
	s14 =	ssub.s32 @!p1 s14, s15  }
0x24: {  	s15 =	sand.u32 @!p1 $0x2000, s16;
	s16 =	sadd.s32 @!p1 s6, s17;
	s14 =	sshll.u32 @!p1 s14, $0x4  }
0x25: {  	s17 =	simm.s32 @!p1 $0x6400;
	s14 =	sadd.s32 @!p1 s14, s16;
	s16 =	simm.s32 @!p1 $0x40  }
0x26: {  	[tilespmem:s15], [sflag:$0x1] =	stream.strided.gather @!p1 [hbm4b:s14+s16], $0x2000, s17, s16, $0x38;
	[tilespmem:$0x8080] =	vst v63  }
0x27: {  	p1 =	sge.u32 s31, s5  }
.Ltmp2:
0x28: {  	_ = 	snop;
	(pc) =	sbr.rel @p1 .LBB1_5-.Ltmp2, $1  }
0x29: {  	_ =	sdelay $0x3  }
0x2a: {  	s14 =	simm.s32 $0x1  }
0x2b: {  	_ =	swait.ge [sflag:s4], $0x2000;
	s14 =	simm.s32 @!p0 $0x0  }
0x2c: {  	[sflag:s4] =	ssyncset.done $0x0;
	s15 =	sshll.u32 s14, $0xD  }
0x2d: {  	[sflag:s4] =	ssyncadd.s32 $0xFFFFE000;
	s18 =	sor.u32 $0x20, s15  }
0x2e: {  	s14 =	smul.u32 $0x8100, s14;
	v3 =	vld [tilespmem:s18+$0x10]  }
0x2f: {  	s30 =	sand.u32 $0x1, s11;
	v2 =	vld [tilespmem:s18+$0xFFFFFFF0]  }
0x30: {  	s15 =	smul.u32 $0x8100, s30;
	s14 =	sshrl.u32 s14, $0x2;
	v0 =	vld [tilespmem:s18+$0x0]  }
0x31: {  	v1 =	vld [tilespmem:s18+$0xFFFFFFE0];
	s16 =	sor.u32 $0x4000, s14  }
0x32: {  	s31 =	sshrl.u32 s15, $0x2;
	s15 =	sadd.s32 $0x0, s16  }
0x33: {  	s17 =	simm.s32 $0x4;
	s18 =	sadd.s32 $0x40, s18;
	s14 =	sor.u32 $0x4000, s31;
	[tilespmem:s15+$0x1830 ss:$0x81] =	vst.msk $0xffff, v3  }
.LBB1_3:
0x34: {  	v3 =	vld [tilespmem:s18+$0x10];
	p1 =	sne.s32 s17, $0x1FC;
	[tilespmem:s15+$0x810 ss:$0x81] =	vst.msk $0xffff, v2;
	s19 =	smov.u32 s17;
	s17 =	sadd.s32 $0x4, s17  }
.Ltmp3:
0x35: {  	v2 =	vld [tilespmem:s18+$0xFFFFFFF0];
	[tilespmem:s15+$0x1020 ss:$0x81] =	vst.msk $0xffff, v0;
	(pc) =	sbr.rel @p1 .LBB1_3-.Ltmp3, $4  }
0x36: {  	v0 =	vld [tilespmem:s18+$0x0];
	[tilespmem:s15+$0x0 ss:$0x81] =	vst.msk $0xffff, v1  }
0x37: {  	s15 =	sshra.s32 s19, $0x2;
	v1 =	vld [tilespmem:s18+$0xFFFFFFE0]  }
0x38: {  	s15 =	sadd.s32 s15, s16  }
0x39: {  	s18 =	sadd.s32 $0x40, s18;
	[tilespmem:s15+$0x1830 ss:$0x81] =	vst.msk $0xffff, v3  }
.Ltmp4:
0x3a: {  	_ = 	snop;
	(pc) =	sbr.rel .LBB1_4-.Ltmp4, $1  }
0x3b: {  	_ =	sdelay $0x3  }
.LBB1_6:
0x3c: {  	_ =	sfence.sel $0x180000  }
0x3d: {  	s2 =	simm.s32 $0x1;
	[bflag:$0x0] =	sbarrier.arrive $0xFFFF  }
0x3e: {  	s31 =	simm.s32 $0x2;
	[sflag:s2] =	ssyncpa.u1 $0x1  }
0x3f: {  	[sflag:s31] =	ssyncpa.u1 $0x1  }
0x40: {  	p0 =	sne.s32 s0, $0x0;
	_ =	strace $0x9000004A  }
0x41: {  	s0 =	sadd.s32 @!p0 $0x100000, s1;
	[bflag:$0x2] =	sbarrier.arrive $0xFFFF  }
0x42: {  	[sflag:s0] =	ssyncadd.tile.s32 @!p0 $0x1;
	_ =	shalt  }
.Lfunc_end1:
_tile_overlayer_lowered:
.L_overlay_start_2:
0x43: {  	(tag) =	ssettag $0x2  }
0x44: {  	s0 =	rddreg [dreg:$0x0];
	s2 =	stileid.u32  }
0x45: {  	s1 =	rddreg [dreg:$0x1];
	p0 =	sne.s32 s2, $0x0  }
0x46: {  	s3 =	rddreg [dreg:$0x2];
	[bflag:$0x3] =	sbarrier.arrive $0xFFFF;
	s2 =	simm.s32 @!p0 $0x1C01  }
0x47: {  	[timem:s3], [sflag:s2] =	dma.local @!p0 [hbm:s0], s1  }
0x48: {  	s0 =	simm.s32 @!p0 $0x1  }
0x49: {  	_ =	swait.ge @!p0 [sflag:s0], s1  }
0x4a: {  	s1 =	ssub.s32 @!p0 $0x0, s1;
	[sflag:s0] =	ssyncset.done @!p0 $0x0  }
0x4b: {  	[sflag:s0] =	ssyncadd.s32 @!p0 s1  }
0x4c: {  	[bflag:$0x3] =	sbarrier.arrive $0xFFFF  }
0x4d: {  	_ =	shalt  }

</sc_bundles>
